<compile_context>
chip_gen: v7x
topology: tpu7x:2x2x1
jax: 0.10.2.dev20260603
libtpu: 0.0.44.dev20260713+nightly
codegen_flags: <defaults>
</compile_context>

<pallas_src>
import functools

import jax
import jax.numpy as jnp
from jax import lax
from jax.experimental import pallas as pl
from jax.experimental.pallas import tpu as pltpu
from jax.experimental.pallas import tpu_sc as plsc

N = 100000
NF = 128
C = 1000
CP = 1024
B = 1024
TEMP = 0.05
NC, NS = 2, 16
NW = NC * NS
CHUNK = 400
GRP = 100
NGRP = CHUNK // GRP
NCHUNKS = N // CHUNK
BASE_TRIPS = NCHUNKS // NW
EXTRA = NCHUNKS - BASE_TRIPS * NW
TGT_PER = B // NW
ROWS_PER = CP // NS


def _sc_segment_sum(features, lab2d, lab1d, indexes):
    mesh = plsc.VectorSubcoreMesh(
        core_axis_name="c", subcore_axis_name="s", num_cores=NC, num_subcores=NS
    )

    @functools.partial(
        pl.kernel,
        out_type=(
            jax.ShapeDtypeStruct((NC * CP, NF), jnp.float32),
            jax.ShapeDtypeStruct((NW, CP), jnp.float32),
            jax.ShapeDtypeStruct((B,), jnp.int32),
        ),
        mesh=mesh,
        scratch_types=[
            pltpu.VMEM((CHUNK, NF), jnp.float32),
            pltpu.VMEM((CHUNK, NF), jnp.float32),
            pltpu.VMEM((NGRP, GRP), jnp.int32),
            pltpu.VMEM((NGRP, GRP), jnp.int32),
            pltpu.VMEM((CHUNK,), jnp.int32),
            pltpu.VMEM((CHUNK,), jnp.int32),
            pltpu.VMEM((CP + 16,), jnp.float32),
            pltpu.VMEM((TGT_PER,), jnp.int32),
            pltpu.VMEM((TGT_PER,), jnp.int32),
            pltpu.VMEM_SHARED((CP, NF), jnp.float32),
            pltpu.SemaphoreType.DMA,
            pltpu.SemaphoreType.DMA,
            pltpu.SemaphoreType.DMA,
            pltpu.SemaphoreType.DMA,
        ],
    )
    def k(feat_hbm, lab2d_hbm, lab1d_hbm, idx_hbm,
          out_sums, out_hist, out_tgt,
          rows0_v, rows1_v, lab0_v, lab1_v, labf0_v, labf1_v,
          hist_v, idx_v, tgt_v, acc_sh,
          sem_rows, sem_lab, sem_sc, sem_tgt):
        cid = lax.axis_index("c")
        sid = lax.axis_index("s")
        wid = cid * NS + sid

        pltpu.async_copy(feat_hbm.at[pl.ds(wid * CHUNK, CHUNK)],
                         rows0_v, sem_rows)
        pltpu.async_copy(lab2d_hbm.at[pl.ds(wid * NGRP, NGRP)],
                         lab0_v, sem_lab)
        pltpu.async_copy(lab1d_hbm.at[pl.ds(wid * CHUNK, CHUNK)],
                         labf0_v, sem_lab)
        pltpu.async_copy(idx_hbm.at[pl.ds(wid * TGT_PER, TGT_PER)],
                         idx_v, sem_tgt)

        def zhist(i, c):
            hist_v[pl.ds(i * 16, 16)] = jnp.zeros((16,), jnp.float32)
            return c
        lax.fori_loop(0, (CP + 16) // 16, zhist, 0)

        def zrows(i, c):
            r = i // (NF // 16)
            col = (i % (NF // 16)) * 16
            rows1_v[r, pl.ds(col, 16)] = jnp.zeros((16,), jnp.float32)
            return c
        lax.fori_loop(0, ROWS_PER * (NF // 16), zrows, 0)
        pltpu.sync_copy(rows1_v.at[pl.ds(0, ROWS_PER)],
                        acc_sh.at[pl.ds(sid * ROWS_PER, ROWS_PER)])

        plsc.subcore_barrier()

        ntrips = jnp.where(wid < EXTRA, BASE_TRIPS + 1, BASE_TRIPS)

        e0 = jnp.where(lax.broadcasted_iota(jnp.int32, (16,), 0) == 0,
                       1.0, 0.0).astype(jnp.float32)

        bufs = ((rows0_v, lab0_v, labf0_v), (rows1_v, lab1_v, labf1_v))
        MAXT = BASE_TRIPS + 1

        def pair_body(kg, carry):
            for b in range(2):
                kk = kg * 2 + b
                rows_b, lab_b, labf_b = bufs[b]
                rows_n, lab_n, labf_n = bufs[1 - b]

                @pl.when(kk < ntrips)
                def _():
                    pltpu.make_async_copy(feat_hbm.at[pl.ds(0, CHUNK)],
                                          rows_b, sem_rows).wait()
                    pltpu.make_async_copy(lab2d_hbm.at[pl.ds(0, NGRP)],
                                          lab_b, sem_lab).wait()
                    pltpu.make_async_copy(lab1d_hbm.at[pl.ds(0, CHUNK)],
                                          labf_b, sem_lab).wait()

                    @pl.when(kk >= 1)
                    def _():
                        for j in range(NGRP):
                            pltpu.make_async_copy(
                                rows_n.at[pl.ds(j * GRP, GRP)],
                                acc_sh.at[lab_n.at[j]], sem_sc).wait()

                    @pl.when(kk + 1 < ntrips)
                    def _():
                        c2 = wid + NW * (kk + 1)
                        pltpu.async_copy(feat_hbm.at[pl.ds(c2 * CHUNK, CHUNK)],
                                         rows_n, sem_rows)
                        pltpu.async_copy(lab2d_hbm.at[pl.ds(c2 * NGRP, NGRP)],
                                         lab_n, sem_lab)
                        pltpu.async_copy(lab1d_hbm.at[pl.ds(c2 * CHUNK, CHUNK)],
                                         labf_n, sem_lab)

                    for j in range(NGRP):
                        pltpu.async_copy(
                            rows_b.at[pl.ds(j * GRP, GRP)],
                            acc_sh.at[lab_b.at[j]], sem_sc, add=True)

                    def cnt_body(i, c):
                        v16 = labf_b[pl.ds(i * 16, 16)]
                        for lane in range(16):
                            l = v16[lane]
                            hist_v[pl.ds(l, 16)] = hist_v[pl.ds(l, 16)] + e0
                        return c
                    lax.fori_loop(0, CHUNK // 16, cnt_body, 0)
            return carry

        lax.fori_loop(0, (MAXT + 1) // 2, pair_body, 0)

        for j in range(NGRP):
            pltpu.make_async_copy(rows0_v.at[pl.ds(j * GRP, GRP)],
                                  acc_sh.at[lab0_v.at[j]], sem_sc).wait()

        pltpu.make_async_copy(idx_hbm.at[pl.ds(0, TGT_PER)], idx_v,
                              sem_tgt).wait()
        pltpu.async_copy(lab1d_hbm.at[idx_v], tgt_v, sem_tgt).wait()
        pltpu.sync_copy(tgt_v, out_tgt.at[pl.ds(wid * TGT_PER, TGT_PER)])

        plsc.subcore_barrier()

        pltpu.sync_copy(acc_sh.at[pl.ds(sid * ROWS_PER, ROWS_PER)],
                        out_sums.at[pl.ds(cid * CP + sid * ROWS_PER, ROWS_PER)])
        pltpu.sync_copy(hist_v.at[pl.ds(0, CP)], out_hist.at[wid])

    return k(features, lab2d, lab1d, indexes)


def _tc_loss_body(x_ref, s_ref, c_ref, t_ref, o_ref):
    a = x_ref[...]
    nrm = jnp.sqrt(jnp.sum(a * a, axis=1, keepdims=True))
    x = a / jnp.maximum(nrm, 1e-12)
    cls = s_ref[0:CP, :] + s_ref[CP:2 * CP, :]
    cn = jnp.sum(c_ref[...], axis=0, keepdims=True)
    logits = lax.dot_general(x, cls, (((1,), (1,)), ((), ())),
                             preferred_element_type=jnp.float32,
                             precision=lax.Precision.HIGHEST) / TEMP
    mask = (cn > 0).astype(jnp.float32)
    denom = mask * cn + (1.0 - mask)
    sim = logits / denom
    e = jnp.exp(sim) * mask
    ssum = jnp.sum(e, axis=1, keepdims=True) + 1e-6
    cls_id = lax.broadcasted_iota(jnp.int32, (B, CP), 1)
    e_t = jnp.sum(jnp.where(cls_id == t_ref[...], e, 0.0),
                  axis=1, keepdims=True)
    picked = jnp.log(e_t / ssum + 1e-6)
    o_ref[...] = jnp.sum(picked, axis=0, keepdims=True) * (-1.0 / B)


def _tc_loss(inputs, sums, hist, tgt_col, interpret=False):
    return pl.pallas_call(
        _tc_loss_body,
        out_shape=jax.ShapeDtypeStruct((1, 1), jnp.float32),
        interpret=interpret,
    )(inputs, sums, hist, tgt_col)


def kernel(inputs, indexes, features, labels):
    labels = labels.astype(jnp.int32)
    indexes = indexes.astype(jnp.int32)
    lab2d = labels.reshape(C, N // C)
    sums, hist, tgt = _sc_segment_sum(features, lab2d, labels, indexes)
    loss = _tc_loss(inputs, sums, hist, tgt.reshape(B, 1))
    return loss[0, 0]

# --- scband reference (transcript-rebuilt; emitter-appended) ---
"""Pipeline reference for scband-hybrid-memory-17806934409433 (READ-ONLY COPY).

The authoritative reference and input builder live on the scoring server;
editing this copy changes nothing except your own understanding.
"""

import jax, jax.numpy as jnp
import numpy as np

NUM_SAMPLES = 100000
NUM_FEATURES = 128
NUM_CLASSES = 1000
BATCH = 1024
TEMP = 0.05


def setup_inputs(seed: int = 0) -> dict:
    key = jax.random.key(seed)
    k1, k2, k3, k4 = jax.random.split(key, 4)
    inputs = jax.random.normal(k1, (BATCH, NUM_FEATURES), dtype=jnp.float32)
    indexes = jax.random.randint(k2, (BATCH,), 0, NUM_SAMPLES, dtype=jnp.int64 if jax.config.jax_enable_x64 else jnp.int32).astype(jnp.int32)
    feats = jax.random.normal(k3, (NUM_SAMPLES, NUM_FEATURES), dtype=jnp.float32)
    features = feats / jnp.maximum(jnp.linalg.norm(feats, axis=1, keepdims=True), 1e-12)
    labels = jax.random.randint(k4, (NUM_SAMPLES,), 0, NUM_CLASSES, dtype=jnp.int32)
    return {"inputs": inputs, "indexes": indexes, "features": features, "labels": labels}


def reference(inputs, indexes, features, labels):
    # F.normalize(inputs, dim=1)
    x = inputs / jnp.maximum(jnp.linalg.norm(inputs, axis=1, keepdims=True), 1e-12)
    # HM forward: inputs.mm(features.t()), then /= temp
    sims = (x @ features.T) / TEMP  # [B, N]
    # sim index_add over labels: [C, B]
    sim = jax.ops.segment_sum(sims.T, labels, num_segments=NUM_CLASSES)
    nums = jax.ops.segment_sum(jnp.ones((NUM_SAMPLES, 1), jnp.float32), labels, num_segments=NUM_CLASSES)  # [C, 1]
    mask = (nums > 0).astype(jnp.float32)  # [C, 1]
    sim = sim / (mask * nums + (1.0 - mask))  # class-mean similarity
    # masked_softmax over classes, per-row
    vec = sim.T  # [B, C]
    exps = jnp.exp(vec)
    masked_exps = exps * mask.T  # broadcast [1, C]
    masked_sums = jnp.sum(masked_exps, axis=1, keepdims=True) + 1e-6
    masked_sim = masked_exps / masked_sums
    # nll_loss(log(masked_sim + 1e-6), targets)
    targets = labels[indexes]  # [B]
    logp = jnp.log(masked_sim + 1e-6)
    picked = jnp.take_along_axis(logp, targets[:, None], axis=1)[:, 0]
    loss = -jnp.mean(picked)
    return loss

if __name__ == "__main__":
    import jax
    _d = setup_inputs()
    print(jax.jit(kernel)(*tuple(_d.values())))

</pallas_src>

<mosaic_0001>
#map = affine_map<(d0, d1) -> (0, 0)>
#map1 = affine_map<(d0, d1) -> (0)>
module attributes {stable_mosaic.version = 14 : i64} {
  func.func @k(%arg0: i32, %arg1: i32, %arg2: memref<100000x128xf32, #tpu.memory_space<hbm>>, %arg3: memref<1000x100xi32, #tpu.memory_space<hbm>>, %arg4: memref<100000xi32, #tpu.memory_space<hbm>>, %arg5: memref<1024xi32, #tpu.memory_space<hbm>>, %arg6: memref<2048x128xf32, #tpu.memory_space<hbm>>, %arg7: memref<32x1024xf32, #tpu.memory_space<hbm>>, %arg8: memref<1024xi32, #tpu.memory_space<hbm>>, %arg9: memref<400x128xf32, #tpu.memory_space<vmem>>, %arg10: memref<400x128xf32, #tpu.memory_space<vmem>>, %arg11: memref<4x100xi32, #tpu.memory_space<vmem>>, %arg12: memref<4x100xi32, #tpu.memory_space<vmem>>, %arg13: memref<400xi32, #tpu.memory_space<vmem>>, %arg14: memref<400xi32, #tpu.memory_space<vmem>>, %arg15: memref<1040xf32, #tpu.memory_space<vmem>>, %arg16: memref<32xi32, #tpu.memory_space<vmem>>, %arg17: memref<32xi32, #tpu.memory_space<vmem>>, %arg18: memref<1024x128xf32, #tpu.memory_space<vmem_shared>>, %arg19: memref<!tpu.dma_semaphore, #tpu.memory_space<semaphore_mem>>, %arg20: memref<!tpu.dma_semaphore, #tpu.memory_space<semaphore_mem>>, %arg21: memref<!tpu.dma_semaphore, #tpu.memory_space<semaphore_mem>>, %arg22: memref<!tpu.dma_semaphore, #tpu.memory_space<semaphore_mem>>) attributes {dimension_semantics = [#tpu.dimension_semantics<core_parallel>, #tpu.dimension_semantics<subcore_parallel>], iteration_bounds = array<i64: 2, 16>, scalar_prefetch = 0 : i64, scratch_operands = 14 : i64, tpu.core_type = #tpu.core_type<sc_vector_subcore>, window_params = [{transform_indices = #map}, {transform_indices = #map}, {transform_indices = #map1}, {transform_indices = #map1}, {transform_indices = #map}, {transform_indices = #map}, {transform_indices = #map1}]} {
    %mul3A = arith.constant 16 : i32
    %mul3A_0 = arith.muli %arg0, %mul3A : i32
    %add3A = arith.addi %mul3A_0, %arg1 : i32
    %mul3A_1 = arith.constant 400 : i32
    %mul3A_2 = arith.muli %add3A, %mul3A_1 : i32
    %dma_start3A = arith.constant 0 : i32
    %dma_start3A_3 = tpu.memref_slice %arg2[%mul3A_2, %dma_start3A] : memref<100000x128xf32, #tpu.memory_space<hbm>> -> memref<400x128xf32, #tpu.memory_space<hbm>>
    %dma_start3A_4 = arith.constant 0 : i32
    %dma_start3A_5 = tpu.memref_slice %arg2[%mul3A_2, %dma_start3A_4] : memref<100000x128xf32, #tpu.memory_space<hbm>> -> memref<400x128xf32, #tpu.memory_space<hbm>>
    tpu.enqueue_dma source(%dma_start3A_5 : memref<400x128xf32, #tpu.memory_space<hbm>>) target(%arg9 : memref<400x128xf32, #tpu.memory_space<vmem>>) target_semaphore(%arg19 : memref<!tpu.dma_semaphore, #tpu.memory_space<semaphore_mem>>)
    %mul3A_6 = arith.constant 4 : i32
    %mul3A_7 = arith.muli %add3A, %mul3A_6 : i32
    %dma_start3A_8 = arith.constant 0 : i32
    %dma_start3A_9 = tpu.memref_slice %arg3[%mul3A_7, %dma_start3A_8] : memref<1000x100xi32, #tpu.memory_space<hbm>> -> memref<4x100xi32, #tpu.memory_space<hbm>>
    %dma_start3A_10 = arith.constant 0 : i32
    %dma_start3A_11 = tpu.memref_slice %arg3[%mul3A_7, %dma_start3A_10] : memref<1000x100xi32, #tpu.memory_space<hbm>> -> memref<4x100xi32, #tpu.memory_space<hbm>>
    tpu.enqueue_dma source(%dma_start3A_11 : memref<4x100xi32, #tpu.memory_space<hbm>>) target(%arg11 : memref<4x100xi32, #tpu.memory_space<vmem>>) target_semaphore(%arg20 : memref<!tpu.dma_semaphore, #tpu.memory_space<semaphore_mem>>)
    %mul3A_12 = arith.constant 400 : i32
    %mul3A_13 = arith.muli %add3A, %mul3A_12 : i32
    %dma_start3A_14 = tpu.memref_slice %arg4[%mul3A_13] : memref<100000xi32, #tpu.memory_space<hbm>> -> memref<400xi32, #tpu.memory_space<hbm>>
    %dma_start3A_15 = tpu.memref_slice %arg4[%mul3A_13] : memref<100000xi32, #tpu.memory_space<hbm>> -> memref<400xi32, #tpu.memory_space<hbm>>
    tpu.enqueue_dma source(%dma_start3A_15 : memref<400xi32, #tpu.memory_space<hbm>>) target(%arg13 : memref<400xi32, #tpu.memory_space<vmem>>) target_semaphore(%arg20 : memref<!tpu.dma_semaphore, #tpu.memory_space<semaphore_mem>>)
    %mul3A_16 = arith.constant 32 : i32
    %mul3A_17 = arith.muli %add3A, %mul3A_16 : i32
    %dma_start3A_18 = tpu.memref_slice %arg5[%mul3A_17] : memref<1024xi32, #tpu.memory_space<hbm>> -> memref<32xi32, #tpu.memory_space<hbm>>
    %dma_start3A_19 = tpu.memref_slice %arg5[%mul3A_17] : memref<1024xi32, #tpu.memory_space<hbm>> -> memref<32xi32, #tpu.memory_space<hbm>>
    tpu.enqueue_dma source(%dma_start3A_19 : memref<32xi32, #tpu.memory_space<hbm>>) target(%arg16 : memref<32xi32, #tpu.memory_space<vmem>>) target_semaphore(%arg22 : memref<!tpu.dma_semaphore, #tpu.memory_space<semaphore_mem>>)
    %scan3A = arith.constant 0 : i32
    %scan3A_20 = arith.constant 0 : i32
    %scan3A_21 = arith.constant 65 : i32
    %scan3A_22 = arith.addi %scan3A_20, %scan3A_21 : i32
    %scan3A_23 = arith.constant 1 : i32
    scf.for %scan3A_104 = %scan3A_20 to %scan3A_22 step %scan3A_23  : i32 {
      %broadcast_in_dim3A_105 = arith.constant 0.000000e+00 : f32
      %broadcast_in_dim3A_106 = vector.broadcast %broadcast_in_dim3A_105 : f32 to vector<16xf32>
      %mul3A_107 = arith.constant 16 : i32
      %mul3A_108 = arith.muli %scan3A_104, %mul3A_107 : i32
      %swap3A = arith.index_cast %mul3A_108 : i32 to index
      %swap3A_109 = tpu.vector_load %arg15[%swap3A] {strides = array<i32>} : memref<1040xf32, #tpu.memory_space<vmem>>, vector<16xf32>,
      %swap3A_110 = vector.shape_cast %swap3A_109 : vector<16xf32> to vector<16xf32>
      %swap3A_111 = vector.shape_cast %broadcast_in_dim3A_106 : vector<16xf32> to vector<16xf32>
      tpu.vector_store %arg15[%swap3A], %swap3A_111 {strides = array<i32>} : memref<1040xf32, #tpu.memory_space<vmem>>, vector<16xf32>,
    }
    %scan3A_24 = arith.constant 65 : i32
    %scan3A_25 = arith.constant 0 : i32
    %scan3A_26 = arith.constant 0 : i32
    %scan3A_27 = arith.constant 512 : i32
    %scan3A_28 = arith.addi %scan3A_26, %scan3A_27 : i32
    %scan3A_29 = arith.constant 1 : i32
    scf.for %scan3A_104 = %scan3A_26 to %scan3A_28 step %scan3A_29  : i32 {
      %jit3A_105 = arith.constant 8 : i32
      %div3A = arith.divsi %scan3A_104, %jit3A_105 : i32
      %sign3A = arith.constant 0 : i32
      %sign3A_106 = arith.cmpi sgt, %scan3A_104, %sign3A : i32
      %sign3A_107 = arith.extui %sign3A_106 : i1 to i32
      %sign3A_108 = arith.constant 0 : i32
      %sign3A_109 = arith.cmpi slt, %scan3A_104, %sign3A_108 : i32
      %sign3A_110 = arith.extui %sign3A_109 : i1 to i32
      %sign3A_111 = arith.subi %sign3A_107, %sign3A_110 : i32
      %sign3A_112 = arith.constant 0 : i32
      %sign3A_113 = arith.cmpi sgt, %jit3A_105, %sign3A_112 : i32
      %sign3A_114 = arith.extui %sign3A_113 : i1 to i32
      %sign3A_115 = arith.constant 0 : i32
      %sign3A_116 = arith.cmpi slt, %jit3A_105, %sign3A_115 : i32
      %sign3A_117 = arith.extui %sign3A_116 : i1 to i32
      %sign3A_118 = arith.subi %sign3A_114, %sign3A_117 : i32
      %ne3A = arith.cmpi ne, %sign3A_111, %sign3A_118 : i32
      %rem3A = arith.remsi %scan3A_104, %jit3A_105 : i32
      %ne3A_119 = arith.constant 0 : i32
      %ne3A_120 = arith.cmpi ne, %rem3A, %ne3A_119 : i32
      %and3A = arith.andi %ne3A, %ne3A_120 : i1
      %sub3A = arith.constant 1 : i32
      %sub3A_121 = arith.subi %div3A, %sub3A : i32
      %select_n3A_122 = arith.select %and3A, %sub3A_121, %div3A : i32
      %jit3A_123 = arith.constant 8 : i32
      %eq3A_124 = arith.constant 0 : i32
      %eq3A_125 = arith.cmpi eq, %jit3A_123, %eq3A_124 : i32
      %jit3A_126 = arith.constant 1 : i32
      %select_n3A_127 = arith.select %eq3A_125, %jit3A_126, %jit3A_123 : i32
      %rem3A_128 = arith.remsi %scan3A_104, %select_n3A_127 : i32
      %ne3A_129 = arith.constant 0 : i32
      %ne3A_130 = arith.cmpi ne, %rem3A_128, %ne3A_129 : i32
      %lt3A_131 = arith.constant 0 : i32
      %lt3A_132 = arith.cmpi slt, %rem3A_128, %lt3A_131 : i32
      %lt3A_133 = arith.constant 0 : i32
      %lt3A_134 = arith.cmpi slt, %select_n3A_127, %lt3A_133 : i32
      %ne3A_135 = arith.xori %lt3A_132, %lt3A_134 : i1
      %and3A_136 = arith.andi %ne3A_135, %ne3A_130 : i1
      %add3A_137 = arith.addi %rem3A_128, %select_n3A_127 : i32
      %select_n3A_138 = arith.select %and3A_136, %add3A_137, %rem3A_128 : i32
      %mul3A_139 = arith.constant 16 : i32
      %mul3A_140 = arith.muli %select_n3A_138, %mul3A_139 : i32
      %broadcast_in_dim3A_141 = arith.constant 0.000000e+00 : f32
      %broadcast_in_dim3A_142 = vector.broadcast %broadcast_in_dim3A_141 : f32 to vector<16xf32>
      %swap3A = arith.index_cast %select_n3A_122 : i32 to index
      %swap3A_143 = arith.index_cast %mul3A_140 : i32 to index
      %swap3A_144 = tpu.vector_load %arg10[%swap3A, %swap3A_143] {strides = array<i32>} : memref<400x128xf32, #tpu.memory_space<vmem>>, vector<1x16xf32>,
      %swap3A_145 = vector.shape_cast %swap3A_144 : vector<1x16xf32> to vector<16xf32>
      %swap3A_146 = vector.shape_cast %broadcast_in_dim3A_142 : vector<16xf32> to vector<1x16xf32>
      tpu.vector_store %arg10[%swap3A, %swap3A_143], %swap3A_146 {strides = array<i32>} : memref<400x128xf32, #tpu.memory_space<vmem>>, vector<1x16xf32>,
    }
    %scan3A_30 = arith.constant 512 : i32
    %mul3A_31 = arith.constant 64 : i32
    %mul3A_32 = arith.muli %arg1, %mul3A_31 : i32
    "tpu.region"() ({
      %run_scoped3A = tpu.sem_alloc : memref<!tpu.dma_semaphore, #tpu.memory_space<semaphore_mem>>
      %dma_start3A_104 = arith.constant 0 : i32
      %dma_start3A_105 = arith.constant 0 : i32
      %dma_start3A_106 = tpu.memref_slice %arg10[%dma_start3A_104, %dma_start3A_105] : memref<400x128xf32, #tpu.memory_space<vmem>> -> memref<64x128xf32, #tpu.memory_space<vmem>>
      %dma_start3A_107 = arith.constant 0 : i32
      %dma_start3A_108 = tpu.memref_slice %arg18[%mul3A_32, %dma_start3A_107] : memref<1024x128xf32, #tpu.memory_space<vmem_shared>> -> memref<64x128xf32, #tpu.memory_space<vmem_shared>>
      %dma_start3A_109 = arith.constant 0 : i32
      %dma_start3A_110 = tpu.memref_slice %arg18[%mul3A_32, %dma_start3A_109] : memref<1024x128xf32, #tpu.memory_space<vmem_shared>> -> memref<64x128xf32, #tpu.memory_space<vmem_shared>>
      %dma_start3A_111 = arith.constant 0 : i32
      %dma_start3A_112 = arith.constant 0 : i32
      %dma_start3A_113 = tpu.memref_slice %arg10[%dma_start3A_111, %dma_start3A_112] : memref<400x128xf32, #tpu.memory_space<vmem>> -> memref<64x128xf32, #tpu.memory_space<vmem>>
      tpu.enqueue_dma source(%dma_start3A_113 : memref<64x128xf32, #tpu.memory_space<vmem>>) target(%dma_start3A_110 : memref<64x128xf32, #tpu.memory_space<vmem_shared>>) target_semaphore(%run_scoped3A : memref<!tpu.dma_semaphore, #tpu.memory_space<semaphore_mem>>)
      %dma_wait3A_114 = arith.constant 0 : i32
      %dma_wait3A_115 = arith.constant 0 : i32
      %dma_wait3A_116 = tpu.memref_slice %arg10[%dma_wait3A_114, %dma_wait3A_115] : memref<400x128xf32, #tpu.memory_space<vmem>> -> memref<64x128xf32, #tpu.memory_space<vmem>>
      %dma_wait3A_117 = arith.constant 0 : i32
      %dma_wait3A_118 = tpu.memref_slice %arg18[%mul3A_32, %dma_wait3A_117] : memref<1024x128xf32, #tpu.memory_space<vmem_shared>> -> memref<64x128xf32, #tpu.memory_space<vmem_shared>>
      %dma_wait3A_119 = arith.constant 0 : i32
      %dma_wait3A_120 = tpu.memref_slice %arg18[%mul3A_32, %dma_wait3A_119] : memref<1024x128xf32, #tpu.memory_space<vmem_shared>> -> memref<64x128xf32, #tpu.memory_space<vmem_shared>>
      %dma_wait3A_121 = arith.constant 0 : i32
      %dma_wait3A_122 = arith.constant 0 : i32
      %dma_wait3A_123 = tpu.memref_slice %arg10[%dma_wait3A_121, %dma_wait3A_122] : memref<400x128xf32, #tpu.memory_space<vmem>> -> memref<64x128xf32, #tpu.memory_space<vmem>>
      tpu.wait_dma2 semaphore(%run_scoped3A : memref<!tpu.dma_semaphore, #tpu.memory_space<semaphore_mem>>) src(%dma_wait3A_123 : memref<64x128xf32, #tpu.memory_space<vmem>>) dst(%dma_wait3A_120 : memref<64x128xf32, #tpu.memory_space<vmem_shared>>)
      tpu.yield
    }) : () -> ()
    %barrier3A = arith.constant 0 : index
    tpu.barrier barrier_id(%barrier3A)
    %lt3A = arith.constant 26 : i32
    %lt3A_33 = arith.cmpi slt, %add3A, %lt3A : i32
    %jit3A = arith.constant 8 : i32
    %jit3A_34 = arith.constant 7 : i32
    %select_n3A = arith.select %lt3A_33, %jit3A, %jit3A_34 : i32
    %iota3A = tpu.iota {dimensions = array<i32: 0>} : vector<16xi32>
    %eq3A = arith.constant 0 : i32
    %eq3A_35 = vector.broadcast %eq3A : i32 to vector<16xi32>
    %eq3A_36 = arith.cmpi eq, %iota3A, %eq3A_35 : vector<16xi32>
    %jit3A_37 = arith.constant 1.000000e+00 : f32
    %jit3A_38 = arith.constant 0.000000e+00 : f32
    %broadcast_in_dim3A = vector.broadcast %jit3A_37 : f32 to vector<16xf32>
    %broadcast_in_dim3A_39 = vector.broadcast %jit3A_38 : f32 to vector<16xf32>
    %select_n3A_40 = arith.select %eq3A_36, %broadcast_in_dim3A, %broadcast_in_dim3A_39 : vector<16xi1>, vector<16xf32>
    %scan3A_41 = arith.constant 0 : i32
    %scan3A_42 = arith.constant 0 : i32
    %scan3A_43 = arith.constant 4 : i32
    %scan3A_44 = arith.addi %scan3A_42, %scan3A_43 : i32
    %scan3A_45 = arith.constant 1 : i32
    scf.for %scan3A_104 = %scan3A_42 to %scan3A_44 step %scan3A_45  : i32 {
      %mul3A_105 = arith.constant 2 : i32
      %mul3A_106 = arith.muli %scan3A_104, %mul3A_105 : i32
      %add3A_107 = arith.constant 0 : i32
      %add3A_108 = arith.addi %mul3A_106, %add3A_107 : i32
      %lt3A_109 = arith.cmpi slt, %add3A_108, %select_n3A : i32
      %convert_element_type3A = arith.extui %lt3A_109 : i1 to i32
      %cond3A = arith.constant 0 : i32
      %cond3A_110 = arith.cmpi ne, %convert_element_type3A, %cond3A : i32
      scf.if %cond3A_110 {
        %dma_wait3A_119 = arith.constant 0 : i32
        %dma_wait3A_120 = arith.constant 0 : i32
        %dma_wait3A_121 = tpu.memref_slice %arg2[%dma_wait3A_119, %dma_wait3A_120] : memref<100000x128xf32, #tpu.memory_space<hbm>> -> memref<400x128xf32, #tpu.memory_space<hbm>>
        %dma_wait3A_122 = arith.constant 0 : i32
        %dma_wait3A_123 = arith.constant 0 : i32
        %dma_wait3A_124 = tpu.memref_slice %arg2[%dma_wait3A_122, %dma_wait3A_123] : memref<100000x128xf32, #tpu.memory_space<hbm>> -> memref<400x128xf32, #tpu.memory_space<hbm>>
        tpu.wait_dma2 semaphore(%arg19 : memref<!tpu.dma_semaphore, #tpu.memory_space<semaphore_mem>>) src(%dma_wait3A_124 : memref<400x128xf32, #tpu.memory_space<hbm>>) dst(%arg9 : memref<400x128xf32, #tpu.memory_space<vmem>>)
        %dma_wait3A_125 = arith.constant 0 : i32
        %dma_wait3A_126 = arith.constant 0 : i32
        %dma_wait3A_127 = tpu.memref_slice %arg3[%dma_wait3A_125, %dma_wait3A_126] : memref<1000x100xi32, #tpu.memory_space<hbm>> -> memref<4x100xi32, #tpu.memory_space<hbm>>
        %dma_wait3A_128 = arith.constant 0 : i32
        %dma_wait3A_129 = arith.constant 0 : i32
        %dma_wait3A_130 = tpu.memref_slice %arg3[%dma_wait3A_128, %dma_wait3A_129] : memref<1000x100xi32, #tpu.memory_space<hbm>> -> memref<4x100xi32, #tpu.memory_space<hbm>>
        tpu.wait_dma2 semaphore(%arg20 : memref<!tpu.dma_semaphore, #tpu.memory_space<semaphore_mem>>) src(%dma_wait3A_130 : memref<4x100xi32, #tpu.memory_space<hbm>>) dst(%arg11 : memref<4x100xi32, #tpu.memory_space<vmem>>)
        %dma_wait3A_131 = arith.constant 0 : i32
        %dma_wait3A_132 = tpu.memref_slice %arg4[%dma_wait3A_131] : memref<100000xi32, #tpu.memory_space<hbm>> -> memref<400xi32, #tpu.memory_space<hbm>>
        %dma_wait3A_133 = arith.constant 0 : i32
        %dma_wait3A_134 = tpu.memref_slice %arg4[%dma_wait3A_133] : memref<100000xi32, #tpu.memory_space<hbm>> -> memref<400xi32, #tpu.memory_space<hbm>>
        tpu.wait_dma2 semaphore(%arg20 : memref<!tpu.dma_semaphore, #tpu.memory_space<semaphore_mem>>) src(%dma_wait3A_134 : memref<400xi32, #tpu.memory_space<hbm>>) dst(%arg13 : memref<400xi32, #tpu.memory_space<vmem>>)
        %ge3A = arith.constant 1 : i32
        %ge3A_135 = arith.cmpi sge, %add3A_108, %ge3A : i32
        %convert_element_type3A_136 = arith.extui %ge3A_135 : i1 to i32
        %cond3A_137 = arith.constant 0 : i32
        %cond3A_138 = arith.cmpi ne, %convert_element_type3A_136, %cond3A_137 : i32
        scf.if %cond3A_138 {
          %dma_wait3A_191 = arith.constant 0 : i32
          %dma_wait3A_192 = arith.constant 0 : i32
          %dma_wait3A_193 = arith.constant 0 : i32
          %dma_wait3A_194 = tpu.memref_slice %arg10[%dma_wait3A_192, %dma_wait3A_193] : memref<400x128xf32, #tpu.memory_space<vmem>> -> memref<100x128xf32, #tpu.memory_space<vmem>>
          %dma_wait3A_195 = arith.constant 0 : i32
          %dma_wait3A_196 = tpu.memref_slice %arg12[%dma_wait3A_191, %dma_wait3A_195] : memref<4x100xi32, #tpu.memory_space<vmem>> -> memref<1x100xi32, #tpu.memory_space<vmem>>
          %dma_wait3A_197 = tpu.memref_squeeze %dma_wait3A_196 : memref<1x100xi32, #tpu.memory_space<vmem>> -> memref<100xi32, #tpu.memory_space<vmem>>
          %dma_wait3A_198 = arith.constant 0 : i32
          %dma_wait3A_199 = arith.constant 0 : i32
          %dma_wait3A_200 = tpu.memref_slice %arg18[%dma_wait3A_198, %dma_wait3A_199] : memref<1024x128xf32, #tpu.memory_space<vmem_shared>> -> memref<1024x128xf32, #tpu.memory_space<vmem_shared>>
          tpu.wait_indirect_dma semaphore(%arg21 : memref<!tpu.dma_semaphore, #tpu.memory_space<semaphore_mem>>) src(%dma_wait3A_194 : memref<100x128xf32, #tpu.memory_space<vmem>>) dst(%dma_wait3A_200 : memref<1024x128xf32, #tpu.memory_space<vmem_shared>>)
          %dma_wait3A_201 = arith.constant 1 : i32
          %dma_wait3A_202 = arith.constant 100 : i32
          %dma_wait3A_203 = arith.constant 0 : i32
          %dma_wait3A_204 = tpu.memref_slice %arg10[%dma_wait3A_202, %dma_wait3A_203] : memref<400x128xf32, #tpu.memory_space<vmem>> -> memref<100x128xf32, #tpu.memory_space<vmem>>
          %dma_wait3A_205 = arith.constant 0 : i32
          %dma_wait3A_206 = tpu.memref_slice %arg12[%dma_wait3A_201, %dma_wait3A_205] : memref<4x100xi32, #tpu.memory_space<vmem>> -> memref<1x100xi32, #tpu.memory_space<vmem>>
          %dma_wait3A_207 = tpu.memref_squeeze %dma_wait3A_206 : memref<1x100xi32, #tpu.memory_space<vmem>> -> memref<100xi32, #tpu.memory_space<vmem>>
          %dma_wait3A_208 = arith.constant 0 : i32
          %dma_wait3A_209 = arith.constant 0 : i32
          %dma_wait3A_210 = tpu.memref_slice %arg18[%dma_wait3A_208, %dma_wait3A_209] : memref<1024x128xf32, #tpu.memory_space<vmem_shared>> -> memref<1024x128xf32, #tpu.memory_space<vmem_shared>>
          tpu.wait_indirect_dma semaphore(%arg21 : memref<!tpu.dma_semaphore, #tpu.memory_space<semaphore_mem>>) src(%dma_wait3A_204 : memref<100x128xf32, #tpu.memory_space<vmem>>) dst(%dma_wait3A_210 : memref<1024x128xf32, #tpu.memory_space<vmem_shared>>)
          %dma_wait3A_211 = arith.constant 2 : i32
          %dma_wait3A_212 = arith.constant 200 : i32
          %dma_wait3A_213 = arith.constant 0 : i32
          %dma_wait3A_214 = tpu.memref_slice %arg10[%dma_wait3A_212, %dma_wait3A_213] : memref<400x128xf32, #tpu.memory_space<vmem>> -> memref<100x128xf32, #tpu.memory_space<vmem>>
          %dma_wait3A_215 = arith.constant 0 : i32
          %dma_wait3A_216 = tpu.memref_slice %arg12[%dma_wait3A_211, %dma_wait3A_215] : memref<4x100xi32, #tpu.memory_space<vmem>> -> memref<1x100xi32, #tpu.memory_space<vmem>>
          %dma_wait3A_217 = tpu.memref_squeeze %dma_wait3A_216 : memref<1x100xi32, #tpu.memory_space<vmem>> -> memref<100xi32, #tpu.memory_space<vmem>>
          %dma_wait3A_218 = arith.constant 0 : i32
          %dma_wait3A_219 = arith.constant 0 : i32
          %dma_wait3A_220 = tpu.memref_slice %arg18[%dma_wait3A_218, %dma_wait3A_219] : memref<1024x128xf32, #tpu.memory_space<vmem_shared>> -> memref<1024x128xf32, #tpu.memory_space<vmem_shared>>
          tpu.wait_indirect_dma semaphore(%arg21 : memref<!tpu.dma_semaphore, #tpu.memory_space<semaphore_mem>>) src(%dma_wait3A_214 : memref<100x128xf32, #tpu.memory_space<vmem>>) dst(%dma_wait3A_220 : memref<1024x128xf32, #tpu.memory_space<vmem_shared>>)
          %dma_wait3A_221 = arith.constant 3 : i32
          %dma_wait3A_222 = arith.constant 300 : i32
          %dma_wait3A_223 = arith.constant 0 : i32
          %dma_wait3A_224 = tpu.memref_slice %arg10[%dma_wait3A_222, %dma_wait3A_223] : memref<400x128xf32, #tpu.memory_space<vmem>> -> memref<100x128xf32, #tpu.memory_space<vmem>>
          %dma_wait3A_225 = arith.constant 0 : i32
          %dma_wait3A_226 = tpu.memref_slice %arg12[%dma_wait3A_221, %dma_wait3A_225] : memref<4x100xi32, #tpu.memory_space<vmem>> -> memref<1x100xi32, #tpu.memory_space<vmem>>
          %dma_wait3A_227 = tpu.memref_squeeze %dma_wait3A_226 : memref<1x100xi32, #tpu.memory_space<vmem>> -> memref<100xi32, #tpu.memory_space<vmem>>
          %dma_wait3A_228 = arith.constant 0 : i32
          %dma_wait3A_229 = arith.constant 0 : i32
          %dma_wait3A_230 = tpu.memref_slice %arg18[%dma_wait3A_228, %dma_wait3A_229] : memref<1024x128xf32, #tpu.memory_space<vmem_shared>> -> memref<1024x128xf32, #tpu.memory_space<vmem_shared>>
          tpu.wait_indirect_dma semaphore(%arg21 : memref<!tpu.dma_semaphore, #tpu.memory_space<semaphore_mem>>) src(%dma_wait3A_224 : memref<100x128xf32, #tpu.memory_space<vmem>>) dst(%dma_wait3A_230 : memref<1024x128xf32, #tpu.memory_space<vmem_shared>>)
        } else {
        }
        %add3A_139 = arith.constant 1 : i32
        %add3A_140 = arith.addi %add3A_108, %add3A_139 : i32
        %lt3A_141 = arith.cmpi slt, %add3A_140, %select_n3A : i32
        %convert_element_type3A_142 = arith.extui %lt3A_141 : i1 to i32
        %cond3A_143 = arith.constant 0 : i32
        %cond3A_144 = arith.cmpi ne, %convert_element_type3A_142, %cond3A_143 : i32
        scf.if %cond3A_144 {
          %add3A_191 = arith.constant 1 : i32
          %add3A_192 = arith.addi %add3A_108, %add3A_191 : i32
          %mul3A_193 = arith.constant 32 : i32
          %mul3A_194 = arith.muli %mul3A_193, %add3A_192 : i32
          %add3A_195 = arith.addi %add3A, %mul3A_194 : i32
          %mul3A_196 = arith.constant 400 : i32
          %mul3A_197 = arith.muli %add3A_195, %mul3A_196 : i32
          %dma_start3A_198 = arith.constant 0 : i32
          %dma_start3A_199 = tpu.memref_slice %arg2[%mul3A_197, %dma_start3A_198] : memref<100000x128xf32, #tpu.memory_space<hbm>> -> memref<400x128xf32, #tpu.memory_space<hbm>>
          %dma_start3A_200 = arith.constant 0 : i32
          %dma_start3A_201 = tpu.memref_slice %arg2[%mul3A_197, %dma_start3A_200] : memref<100000x128xf32, #tpu.memory_space<hbm>> -> memref<400x128xf32, #tpu.memory_space<hbm>>
          tpu.enqueue_dma source(%dma_start3A_201 : memref<400x128xf32, #tpu.memory_space<hbm>>) target(%arg10 : memref<400x128xf32, #tpu.memory_space<vmem>>) target_semaphore(%arg19 : memref<!tpu.dma_semaphore, #tpu.memory_space<semaphore_mem>>)
          %mul3A_202 = arith.constant 4 : i32
          %mul3A_203 = arith.muli %add3A_195, %mul3A_202 : i32
          %dma_start3A_204 = arith.constant 0 : i32
          %dma_start3A_205 = tpu.memref_slice %arg3[%mul3A_203, %dma_start3A_204] : memref<1000x100xi32, #tpu.memory_space<hbm>> -> memref<4x100xi32, #tpu.memory_space<hbm>>
          %dma_start3A_206 = arith.constant 0 : i32
          %dma_start3A_207 = tpu.memref_slice %arg3[%mul3A_203, %dma_start3A_206] : memref<1000x100xi32, #tpu.memory_space<hbm>> -> memref<4x100xi32, #tpu.memory_space<hbm>>
          tpu.enqueue_dma source(%dma_start3A_207 : memref<4x100xi32, #tpu.memory_space<hbm>>) target(%arg12 : memref<4x100xi32, #tpu.memory_space<vmem>>) target_semaphore(%arg20 : memref<!tpu.dma_semaphore, #tpu.memory_space<semaphore_mem>>)
          %mul3A_208 = arith.constant 400 : i32
          %mul3A_209 = arith.muli %add3A_195, %mul3A_208 : i32
          %dma_start3A_210 = tpu.memref_slice %arg4[%mul3A_209] : memref<100000xi32, #tpu.memory_space<hbm>> -> memref<400xi32, #tpu.memory_space<hbm>>
          %dma_start3A_211 = tpu.memref_slice %arg4[%mul3A_209] : memref<100000xi32, #tpu.memory_space<hbm>> -> memref<400xi32, #tpu.memory_space<hbm>>
          tpu.enqueue_dma source(%dma_start3A_211 : memref<400xi32, #tpu.memory_space<hbm>>) target(%arg14 : memref<400xi32, #tpu.memory_space<vmem>>) target_semaphore(%arg20 : memref<!tpu.dma_semaphore, #tpu.memory_space<semaphore_mem>>)
        } else {
        }
        %dma_start3A_145 = arith.constant 0 : i32
        %dma_start3A_146 = arith.constant 0 : i32
        %dma_start3A_147 = arith.constant 0 : i32
        %dma_start3A_148 = tpu.memref_slice %arg9[%dma_start3A_146, %dma_start3A_147] : memref<400x128xf32, #tpu.memory_space<vmem>> -> memref<100x128xf32, #tpu.memory_space<vmem>>
        %dma_start3A_149 = arith.constant 0 : i32
        %dma_start3A_150 = tpu.memref_slice %arg11[%dma_start3A_145, %dma_start3A_149] : memref<4x100xi32, #tpu.memory_space<vmem>> -> memref<1x100xi32, #tpu.memory_space<vmem>>
        %dma_start3A_151 = tpu.memref_squeeze %dma_start3A_150 : memref<1x100xi32, #tpu.memory_space<vmem>> -> memref<100xi32, #tpu.memory_space<vmem>>
        %dma_start3A_152 = arith.constant 0 : i32
        %dma_start3A_153 = arith.constant 0 : i32
        %dma_start3A_154 = tpu.memref_slice %arg18[%dma_start3A_152, %dma_start3A_153] : memref<1024x128xf32, #tpu.memory_space<vmem_shared>> -> memref<1024x128xf32, #tpu.memory_space<vmem_shared>>
        tpu.enqueue_indirect_dma source(%dma_start3A_148 : memref<100x128xf32, #tpu.memory_space<vmem>>) target(%dma_start3A_154 : memref<1024x128xf32, #tpu.memory_space<vmem_shared>>) offsets(%dma_start3A_151 : memref<100xi32, #tpu.memory_space<vmem>>) semaphore(%arg21 : memref<!tpu.dma_semaphore, #tpu.memory_space<semaphore_mem>>) {add = true}
        %dma_start3A_155 = arith.constant 1 : i32
        %dma_start3A_156 = arith.constant 100 : i32
        %dma_start3A_157 = arith.constant 0 : i32
        %dma_start3A_158 = tpu.memref_slice %arg9[%dma_start3A_156, %dma_start3A_157] : memref<400x128xf32, #tpu.memory_space<vmem>> -> memref<100x128xf32, #tpu.memory_space<vmem>>
        %dma_start3A_159 = arith.constant 0 : i32
        %dma_start3A_160 = tpu.memref_slice %arg11[%dma_start3A_155, %dma_start3A_159] : memref<4x100xi32, #tpu.memory_space<vmem>> -> memref<1x100xi32, #tpu.memory_space<vmem>>
        %dma_start3A_161 = tpu.memref_squeeze %dma_start3A_160 : memref<1x100xi32, #tpu.memory_space<vmem>> -> memref<100xi32, #tpu.memory_space<vmem>>
        %dma_start3A_162 = arith.constant 0 : i32
        %dma_start3A_163 = arith.constant 0 : i32
        %dma_start3A_164 = tpu.memref_slice %arg18[%dma_start3A_162, %dma_start3A_163] : memref<1024x128xf32, #tpu.memory_space<vmem_shared>> -> memref<1024x128xf32, #tpu.memory_space<vmem_shared>>
        tpu.enqueue_indirect_dma source(%dma_start3A_158 : memref<100x128xf32, #tpu.memory_space<vmem>>) target(%dma_start3A_164 : memref<1024x128xf32, #tpu.memory_space<vmem_shared>>) offsets(%dma_start3A_161 : memref<100xi32, #tpu.memory_space<vmem>>) semaphore(%arg21 : memref<!tpu.dma_semaphore, #tpu.memory_space<semaphore_mem>>) {add = true}
        %dma_start3A_165 = arith.constant 2 : i32
        %dma_start3A_166 = arith.constant 200 : i32
        %dma_start3A_167 = arith.constant 0 : i32
        %dma_start3A_168 = tpu.memref_slice %arg9[%dma_start3A_166, %dma_start3A_167] : memref<400x128xf32, #tpu.memory_space<vmem>> -> memref<100x128xf32, #tpu.memory_space<vmem>>
        %dma_start3A_169 = arith.constant 0 : i32
        %dma_start3A_170 = tpu.memref_slice %arg11[%dma_start3A_165, %dma_start3A_169] : memref<4x100xi32, #tpu.memory_space<vmem>> -> memref<1x100xi32, #tpu.memory_space<vmem>>
        %dma_start3A_171 = tpu.memref_squeeze %dma_start3A_170 : memref<1x100xi32, #tpu.memory_space<vmem>> -> memref<100xi32, #tpu.memory_space<vmem>>
        %dma_start3A_172 = arith.constant 0 : i32
        %dma_start3A_173 = arith.constant 0 : i32
        %dma_start3A_174 = tpu.memref_slice %arg18[%dma_start3A_172, %dma_start3A_173] : memref<1024x128xf32, #tpu.memory_space<vmem_shared>> -> memref<1024x128xf32, #tpu.memory_space<vmem_shared>>
        tpu.enqueue_indirect_dma source(%dma_start3A_168 : memref<100x128xf32, #tpu.memory_space<vmem>>) target(%dma_start3A_174 : memref<1024x128xf32, #tpu.memory_space<vmem_shared>>) offsets(%dma_start3A_171 : memref<100xi32, #tpu.memory_space<vmem>>) semaphore(%arg21 : memref<!tpu.dma_semaphore, #tpu.memory_space<semaphore_mem>>) {add = true}
        %dma_start3A_175 = arith.constant 3 : i32
        %dma_start3A_176 = arith.constant 300 : i32
        %dma_start3A_177 = arith.constant 0 : i32
        %dma_start3A_178 = tpu.memref_slice %arg9[%dma_start3A_176, %dma_start3A_177] : memref<400x128xf32, #tpu.memory_space<vmem>> -> memref<100x128xf32, #tpu.memory_space<vmem>>
        %dma_start3A_179 = arith.constant 0 : i32
        %dma_start3A_180 = tpu.memref_slice %arg11[%dma_start3A_175, %dma_start3A_179] : memref<4x100xi32, #tpu.memory_space<vmem>> -> memref<1x100xi32, #tpu.memory_space<vmem>>
        %dma_start3A_181 = tpu.memref_squeeze %dma_start3A_180 : memref<1x100xi32, #tpu.memory_space<vmem>> -> memref<100xi32, #tpu.memory_space<vmem>>
        %dma_start3A_182 = arith.constant 0 : i32
        %dma_start3A_183 = arith.constant 0 : i32
        %dma_start3A_184 = tpu.memref_slice %arg18[%dma_start3A_182, %dma_start3A_183] : memref<1024x128xf32, #tpu.memory_space<vmem_shared>> -> memref<1024x128xf32, #tpu.memory_space<vmem_shared>>
        tpu.enqueue_indirect_dma source(%dma_start3A_178 : memref<100x128xf32, #tpu.memory_space<vmem>>) target(%dma_start3A_184 : memref<1024x128xf32, #tpu.memory_space<vmem_shared>>) offsets(%dma_start3A_181 : memref<100xi32, #tpu.memory_space<vmem>>) semaphore(%arg21 : memref<!tpu.dma_semaphore, #tpu.memory_space<semaphore_mem>>) {add = true}
        %scan3A_185 = arith.constant 0 : i32
        %scan3A_186 = arith.constant 0 : i32
        %scan3A_187 = arith.constant 25 : i32
        %scan3A_188 = arith.addi %scan3A_186, %scan3A_187 : i32
        %scan3A_189 = arith.constant 1 : i32
        scf.for %scan3A_191 = %scan3A_186 to %scan3A_188 step %scan3A_189  : i32 {
          %mul3A_192 = arith.constant 16 : i32
          %mul3A_193 = arith.muli %scan3A_191, %mul3A_192 : i32
          %get3A = arith.index_cast %mul3A_193 : i32 to index
          %get3A_194 = tpu.vector_load %arg13[%get3A] {strides = array<i32>} : memref<400xi32, #tpu.memory_space<vmem>>, vector<16xi32>,
          %get3A_195 = vector.shape_cast %get3A_194 : vector<16xi32> to vector<16xi32>
          %slice3A = vector.extract_strided_slice %get3A_195 {offsets = [0], sizes = [1], strides = [1]} : vector<16xi32> to vector<1xi32>
          %squeeze3A = vector.extract %slice3A[0] : i32 from vector<1xi32>
          %get3A_196 = arith.index_cast %squeeze3A : i32 to index
          %get3A_197 = tpu.vector_load %arg15[%get3A_196] {strides = array<i32>} : memref<1040xf32, #tpu.memory_space<vmem>>, vector<16xf32>,
          %get3A_198 = vector.shape_cast %get3A_197 : vector<16xf32> to vector<16xf32>
          %add3A_199 = arith.addf %get3A_198, %select_n3A_40 : vector<16xf32>
          %swap3A = arith.index_cast %squeeze3A : i32 to index
          %swap3A_200 = tpu.vector_load %arg15[%swap3A] {strides = array<i32>} : memref<1040xf32, #tpu.memory_space<vmem>>, vector<16xf32>,
          %swap3A_201 = vector.shape_cast %swap3A_200 : vector<16xf32> to vector<16xf32>
          %swap3A_202 = vector.shape_cast %add3A_199 : vector<16xf32> to vector<16xf32>
          tpu.vector_store %arg15[%swap3A], %swap3A_202 {strides = array<i32>} : memref<1040xf32, #tpu.memory_space<vmem>>, vector<16xf32>,
          %slice3A_203 = vector.extract_strided_slice %get3A_195 {offsets = [1], sizes = [1], strides = [1]} : vector<16xi32> to vector<1xi32>
          %squeeze3A_204 = vector.extract %slice3A_203[0] : i32 from vector<1xi32>
          %get3A_205 = arith.index_cast %squeeze3A_204 : i32 to index
          %get3A_206 = tpu.vector_load %arg15[%get3A_205] {strides = array<i32>} : memref<1040xf32, #tpu.memory_space<vmem>>, vector<16xf32>,
          %get3A_207 = vector.shape_cast %get3A_206 : vector<16xf32> to vector<16xf32>
          %add3A_208 = arith.addf %get3A_207, %select_n3A_40 : vector<16xf32>
          %swap3A_209 = arith.index_cast %squeeze3A_204 : i32 to index
          %swap3A_210 = tpu.vector_load %arg15[%swap3A_209] {strides = array<i32>} : memref<1040xf32, #tpu.memory_space<vmem>>, vector<16xf32>,
          %swap3A_211 = vector.shape_cast %swap3A_210 : vector<16xf32> to vector<16xf32>
          %swap3A_212 = vector.shape_cast %add3A_208 : vector<16xf32> to vector<16xf32>
          tpu.vector_store %arg15[%swap3A_209], %swap3A_212 {strides = array<i32>} : memref<1040xf32, #tpu.memory_space<vmem>>, vector<16xf32>,
          %slice3A_213 = vector.extract_strided_slice %get3A_195 {offsets = [2], sizes = [1], strides = [1]} : vector<16xi32> to vector<1xi32>
          %squeeze3A_214 = vector.extract %slice3A_213[0] : i32 from vector<1xi32>
          %get3A_215 = arith.index_cast %squeeze3A_214 : i32 to index
          %get3A_216 = tpu.vector_load %arg15[%get3A_215] {strides = array<i32>} : memref<1040xf32, #tpu.memory_space<vmem>>, vector<16xf32>,
          %get3A_217 = vector.shape_cast %get3A_216 : vector<16xf32> to vector<16xf32>
          %add3A_218 = arith.addf %get3A_217, %select_n3A_40 : vector<16xf32>
          %swap3A_219 = arith.index_cast %squeeze3A_214 : i32 to index
          %swap3A_220 = tpu.vector_load %arg15[%swap3A_219] {strides = array<i32>} : memref<1040xf32, #tpu.memory_space<vmem>>, vector<16xf32>,
          %swap3A_221 = vector.shape_cast %swap3A_220 : vector<16xf32> to vector<16xf32>
          %swap3A_222 = vector.shape_cast %add3A_218 : vector<16xf32> to vector<16xf32>
          tpu.vector_store %arg15[%swap3A_219], %swap3A_222 {strides = array<i32>} : memref<1040xf32, #tpu.memory_space<vmem>>, vector<16xf32>,
          %slice3A_223 = vector.extract_strided_slice %get3A_195 {offsets = [3], sizes = [1], strides = [1]} : vector<16xi32> to vector<1xi32>
          %squeeze3A_224 = vector.extract %slice3A_223[0] : i32 from vector<1xi32>
          %get3A_225 = arith.index_cast %squeeze3A_224 : i32 to index
          %get3A_226 = tpu.vector_load %arg15[%get3A_225] {strides = array<i32>} : memref<1040xf32, #tpu.memory_space<vmem>>, vector<16xf32>,
          %get3A_227 = vector.shape_cast %get3A_226 : vector<16xf32> to vector<16xf32>
          %add3A_228 = arith.addf %get3A_227, %select_n3A_40 : vector<16xf32>
          %swap3A_229 = arith.index_cast %squeeze3A_224 : i32 to index
          %swap3A_230 = tpu.vector_load %arg15[%swap3A_229] {strides = array<i32>} : memref<1040xf32, #tpu.memory_space<vmem>>, vector<16xf32>,
          %swap3A_231 = vector.shape_cast %swap3A_230 : vector<16xf32> to vector<16xf32>
          %swap3A_232 = vector.shape_cast %add3A_228 : vector<16xf32> to vector<16xf32>
          tpu.vector_store %arg15[%swap3A_229], %swap3A_232 {strides = array<i32>} : memref<1040xf32, #tpu.memory_space<vmem>>, vector<16xf32>,
          %slice3A_233 = vector.extract_strided_slice %get3A_195 {offsets = [4], sizes = [1], strides = [1]} : vector<16xi32> to vector<1xi32>
          %squeeze3A_234 = vector.extract %slice3A_233[0] : i32 from vector<1xi32>
          %get3A_235 = arith.index_cast %squeeze3A_234 : i32 to index
          %get3A_236 = tpu.vector_load %arg15[%get3A_235] {strides = array<i32>} : memref<1040xf32, #tpu.memory_space<vmem>>, vector<16xf32>,
          %get3A_237 = vector.shape_cast %get3A_236 : vector<16xf32> to vector<16xf32>
          %add3A_238 = arith.addf %get3A_237, %select_n3A_40 : vector<16xf32>
          %swap3A_239 = arith.index_cast %squeeze3A_234 : i32 to index
          %swap3A_240 = tpu.vector_load %arg15[%swap3A_239] {strides = array<i32>} : memref<1040xf32, #tpu.memory_space<vmem>>, vector<16xf32>,
          %swap3A_241 = vector.shape_cast %swap3A_240 : vector<16xf32> to vector<16xf32>
          %swap3A_242 = vector.shape_cast %add3A_238 : vector<16xf32> to vector<16xf32>
          tpu.vector_store %arg15[%swap3A_239], %swap3A_242 {strides = array<i32>} : memref<1040xf32, #tpu.memory_space<vmem>>, vector<16xf32>,
          %slice3A_243 = vector.extract_strided_slice %get3A_195 {offsets = [5], sizes = [1], strides = [1]} : vector<16xi32> to vector<1xi32>
          %squeeze3A_244 = vector.extract %slice3A_243[0] : i32 from vector<1xi32>
          %get3A_245 = arith.index_cast %squeeze3A_244 : i32 to index
          %get3A_246 = tpu.vector_load %arg15[%get3A_245] {strides = array<i32>} : memref<1040xf32, #tpu.memory_space<vmem>>, vector<16xf32>,
          %get3A_247 = vector.shape_cast %get3A_246 : vector<16xf32> to vector<16xf32>
          %add3A_248 = arith.addf %get3A_247, %select_n3A_40 : vector<16xf32>
          %swap3A_249 = arith.index_cast %squeeze3A_244 : i32 to index
          %swap3A_250 = tpu.vector_load %arg15[%swap3A_249] {strides = array<i32>} : memref<1040xf32, #tpu.memory_space<vmem>>, vector<16xf32>,
          %swap3A_251 = vector.shape_cast %swap3A_250 : vector<16xf32> to vector<16xf32>
          %swap3A_252 = vector.shape_cast %add3A_248 : vector<16xf32> to vector<16xf32>
          tpu.vector_store %arg15[%swap3A_249], %swap3A_252 {strides = array<i32>} : memref<1040xf32, #tpu.memory_space<vmem>>, vector<16xf32>,
          %slice3A_253 = vector.extract_strided_slice %get3A_195 {offsets = [6], sizes = [1], strides = [1]} : vector<16xi32> to vector<1xi32>
          %squeeze3A_254 = vector.extract %slice3A_253[0] : i32 from vector<1xi32>
          %get3A_255 = arith.index_cast %squeeze3A_254 : i32 to index
          %get3A_256 = tpu.vector_load %arg15[%get3A_255] {strides = array<i32>} : memref<1040xf32, #tpu.memory_space<vmem>>, vector<16xf32>,
          %get3A_257 = vector.shape_cast %get3A_256 : vector<16xf32> to vector<16xf32>
          %add3A_258 = arith.addf %get3A_257, %select_n3A_40 : vector<16xf32>
          %swap3A_259 = arith.index_cast %squeeze3A_254 : i32 to index
          %swap3A_260 = tpu.vector_load %arg15[%swap3A_259] {strides = array<i32>} : memref<1040xf32, #tpu.memory_space<vmem>>, vector<16xf32>,
          %swap3A_261 = vector.shape_cast %swap3A_260 : vector<16xf32> to vector<16xf32>
          %swap3A_262 = vector.shape_cast %add3A_258 : vector<16xf32> to vector<16xf32>
          tpu.vector_store %arg15[%swap3A_259], %swap3A_262 {strides = array<i32>} : memref<1040xf32, #tpu.memory_space<vmem>>, vector<16xf32>,
          %slice3A_263 = vector.extract_strided_slice %get3A_195 {offsets = [7], sizes = [1], strides = [1]} : vector<16xi32> to vector<1xi32>
          %squeeze3A_264 = vector.extract %slice3A_263[0] : i32 from vector<1xi32>
          %get3A_265 = arith.index_cast %squeeze3A_264 : i32 to index
          %get3A_266 = tpu.vector_load %arg15[%get3A_265] {strides = array<i32>} : memref<1040xf32, #tpu.memory_space<vmem>>, vector<16xf32>,
          %get3A_267 = vector.shape_cast %get3A_266 : vector<16xf32> to vector<16xf32>
          %add3A_268 = arith.addf %get3A_267, %select_n3A_40 : vector<16xf32>
          %swap3A_269 = arith.index_cast %squeeze3A_264 : i32 to index
          %swap3A_270 = tpu.vector_load %arg15[%swap3A_269] {strides = array<i32>} : memref<1040xf32, #tpu.memory_space<vmem>>, vector<16xf32>,
          %swap3A_271 = vector.shape_cast %swap3A_270 : vector<16xf32> to vector<16xf32>
          %swap3A_272 = vector.shape_cast %add3A_268 : vector<16xf32> to vector<16xf32>
          tpu.vector_store %arg15[%swap3A_269], %swap3A_272 {strides = array<i32>} : memref<1040xf32, #tpu.memory_space<vmem>>, vector<16xf32>,
          %slice3A_273 = vector.extract_strided_slice %get3A_195 {offsets = [8], sizes = [1], strides = [1]} : vector<16xi32> to vector<1xi32>
          %squeeze3A_274 = vector.extract %slice3A_273[0] : i32 from vector<1xi32>
          %get3A_275 = arith.index_cast %squeeze3A_274 : i32 to index
          %get3A_276 = tpu.vector_load %arg15[%get3A_275] {strides = array<i32>} : memref<1040xf32, #tpu.memory_space<vmem>>, vector<16xf32>,
          %get3A_277 = vector.shape_cast %get3A_276 : vector<16xf32> to vector<16xf32>
          %add3A_278 = arith.addf %get3A_277, %select_n3A_40 : vector<16xf32>
          %swap3A_279 = arith.index_cast %squeeze3A_274 : i32 to index
          %swap3A_280 = tpu.vector_load %arg15[%swap3A_279] {strides = array<i32>} : memref<1040xf32, #tpu.memory_space<vmem>>, vector<16xf32>,
          %swap3A_281 = vector.shape_cast %swap3A_280 : vector<16xf32> to vector<16xf32>
          %swap3A_282 = vector.shape_cast %add3A_278 : vector<16xf32> to vector<16xf32>
          tpu.vector_store %arg15[%swap3A_279], %swap3A_282 {strides = array<i32>} : memref<1040xf32, #tpu.memory_space<vmem>>, vector<16xf32>,
          %slice3A_283 = vector.extract_strided_slice %get3A_195 {offsets = [9], sizes = [1], strides = [1]} : vector<16xi32> to vector<1xi32>
          %squeeze3A_284 = vector.extract %slice3A_283[0] : i32 from vector<1xi32>
          %get3A_285 = arith.index_cast %squeeze3A_284 : i32 to index
          %get3A_286 = tpu.vector_load %arg15[%get3A_285] {strides = array<i32>} : memref<1040xf32, #tpu.memory_space<vmem>>, vector<16xf32>,
          %get3A_287 = vector.shape_cast %get3A_286 : vector<16xf32> to vector<16xf32>
          %add3A_288 = arith.addf %get3A_287, %select_n3A_40 : vector<16xf32>
          %swap3A_289 = arith.index_cast %squeeze3A_284 : i32 to index
          %swap3A_290 = tpu.vector_load %arg15[%swap3A_289] {strides = array<i32>} : memref<1040xf32, #tpu.memory_space<vmem>>, vector<16xf32>,
          %swap3A_291 = vector.shape_cast %swap3A_290 : vector<16xf32> to vector<16xf32>
          %swap3A_292 = vector.shape_cast %add3A_288 : vector<16xf32> to vector<16xf32>
          tpu.vector_store %arg15[%swap3A_289], %swap3A_292 {strides = array<i32>} : memref<1040xf32, #tpu.memory_space<vmem>>, vector<16xf32>,
          %slice3A_293 = vector.extract_strided_slice %get3A_195 {offsets = [10], sizes = [1], strides = [1]} : vector<16xi32> to vector<1xi32>
          %squeeze3A_294 = vector.extract %slice3A_293[0] : i32 from vector<1xi32>
          %get3A_295 = arith.index_cast %squeeze3A_294 : i32 to index
          %get3A_296 = tpu.vector_load %arg15[%get3A_295] {strides = array<i32>} : memref<1040xf32, #tpu.memory_space<vmem>>, vector<16xf32>,
          %get3A_297 = vector.shape_cast %get3A_296 : vector<16xf32> to vector<16xf32>
          %add3A_298 = arith.addf %get3A_297, %select_n3A_40 : vector<16xf32>
          %swap3A_299 = arith.index_cast %squeeze3A_294 : i32 to index
          %swap3A_300 = tpu.vector_load %arg15[%swap3A_299] {strides = array<i32>} : memref<1040xf32, #tpu.memory_space<vmem>>, vector<16xf32>,
          %swap3A_301 = vector.shape_cast %swap3A_300 : vector<16xf32> to vector<16xf32>
          %swap3A_302 = vector.shape_cast %add3A_298 : vector<16xf32> to vector<16xf32>
          tpu.vector_store %arg15[%swap3A_299], %swap3A_302 {strides = array<i32>} : memref<1040xf32, #tpu.memory_space<vmem>>, vector<16xf32>,
          %slice3A_303 = vector.extract_strided_slice %get3A_195 {offsets = [11], sizes = [1], strides = [1]} : vector<16xi32> to vector<1xi32>
          %squeeze3A_304 = vector.extract %slice3A_303[0] : i32 from vector<1xi32>
          %get3A_305 = arith.index_cast %squeeze3A_304 : i32 to index
          %get3A_306 = tpu.vector_load %arg15[%get3A_305] {strides = array<i32>} : memref<1040xf32, #tpu.memory_space<vmem>>, vector<16xf32>,
          %get3A_307 = vector.shape_cast %get3A_306 : vector<16xf32> to vector<16xf32>
          %add3A_308 = arith.addf %get3A_307, %select_n3A_40 : vector<16xf32>
          %swap3A_309 = arith.index_cast %squeeze3A_304 : i32 to index
          %swap3A_310 = tpu.vector_load %arg15[%swap3A_309] {strides = array<i32>} : memref<1040xf32, #tpu.memory_space<vmem>>, vector<16xf32>,
          %swap3A_311 = vector.shape_cast %swap3A_310 : vector<16xf32> to vector<16xf32>
          %swap3A_312 = vector.shape_cast %add3A_308 : vector<16xf32> to vector<16xf32>
          tpu.vector_store %arg15[%swap3A_309], %swap3A_312 {strides = array<i32>} : memref<1040xf32, #tpu.memory_space<vmem>>, vector<16xf32>,
          %slice3A_313 = vector.extract_strided_slice %get3A_195 {offsets = [12], sizes = [1], strides = [1]} : vector<16xi32> to vector<1xi32>
          %squeeze3A_314 = vector.extract %slice3A_313[0] : i32 from vector<1xi32>
          %get3A_315 = arith.index_cast %squeeze3A_314 : i32 to index
          %get3A_316 = tpu.vector_load %arg15[%get3A_315] {strides = array<i32>} : memref<1040xf32, #tpu.memory_space<vmem>>, vector<16xf32>,
          %get3A_317 = vector.shape_cast %get3A_316 : vector<16xf32> to vector<16xf32>
          %add3A_318 = arith.addf %get3A_317, %select_n3A_40 : vector<16xf32>
          %swap3A_319 = arith.index_cast %squeeze3A_314 : i32 to index
          %swap3A_320 = tpu.vector_load %arg15[%swap3A_319] {strides = array<i32>} : memref<1040xf32, #tpu.memory_space<vmem>>, vector<16xf32>,
          %swap3A_321 = vector.shape_cast %swap3A_320 : vector<16xf32> to vector<16xf32>
          %swap3A_322 = vector.shape_cast %add3A_318 : vector<16xf32> to vector<16xf32>
          tpu.vector_store %arg15[%swap3A_319], %swap3A_322 {strides = array<i32>} : memref<1040xf32, #tpu.memory_space<vmem>>, vector<16xf32>,
          %slice3A_323 = vector.extract_strided_slice %get3A_195 {offsets = [13], sizes = [1], strides = [1]} : vector<16xi32> to vector<1xi32>
          %squeeze3A_324 = vector.extract %slice3A_323[0] : i32 from vector<1xi32>
          %get3A_325 = arith.index_cast %squeeze3A_324 : i32 to index
          %get3A_326 = tpu.vector_load %arg15[%get3A_325] {strides = array<i32>} : memref<1040xf32, #tpu.memory_space<vmem>>, vector<16xf32>,
          %get3A_327 = vector.shape_cast %get3A_326 : vector<16xf32> to vector<16xf32>
          %add3A_328 = arith.addf %get3A_327, %select_n3A_40 : vector<16xf32>
          %swap3A_329 = arith.index_cast %squeeze3A_324 : i32 to index
          %swap3A_330 = tpu.vector_load %arg15[%swap3A_329] {strides = array<i32>} : memref<1040xf32, #tpu.memory_space<vmem>>, vector<16xf32>,
          %swap3A_331 = vector.shape_cast %swap3A_330 : vector<16xf32> to vector<16xf32>
          %swap3A_332 = vector.shape_cast %add3A_328 : vector<16xf32> to vector<16xf32>
          tpu.vector_store %arg15[%swap3A_329], %swap3A_332 {strides = array<i32>} : memref<1040xf32, #tpu.memory_space<vmem>>, vector<16xf32>,
          %slice3A_333 = vector.extract_strided_slice %get3A_195 {offsets = [14], sizes = [1], strides = [1]} : vector<16xi32> to vector<1xi32>
          %squeeze3A_334 = vector.extract %slice3A_333[0] : i32 from vector<1xi32>
          %get3A_335 = arith.index_cast %squeeze3A_334 : i32 to index
          %get3A_336 = tpu.vector_load %arg15[%get3A_335] {strides = array<i32>} : memref<1040xf32, #tpu.memory_space<vmem>>, vector<16xf32>,
          %get3A_337 = vector.shape_cast %get3A_336 : vector<16xf32> to vector<16xf32>
          %add3A_338 = arith.addf %get3A_337, %select_n3A_40 : vector<16xf32>
          %swap3A_339 = arith.index_cast %squeeze3A_334 : i32 to index
          %swap3A_340 = tpu.vector_load %arg15[%swap3A_339] {strides = array<i32>} : memref<1040xf32, #tpu.memory_space<vmem>>, vector<16xf32>,
          %swap3A_341 = vector.shape_cast %swap3A_340 : vector<16xf32> to vector<16xf32>
          %swap3A_342 = vector.shape_cast %add3A_338 : vector<16xf32> to vector<16xf32>
          tpu.vector_store %arg15[%swap3A_339], %swap3A_342 {strides = array<i32>} : memref<1040xf32, #tpu.memory_space<vmem>>, vector<16xf32>,
          %slice3A_343 = vector.extract_strided_slice %get3A_195 {offsets = [15], sizes = [1], strides = [1]} : vector<16xi32> to vector<1xi32>
          %squeeze3A_344 = vector.extract %slice3A_343[0] : i32 from vector<1xi32>
          %get3A_345 = arith.index_cast %squeeze3A_344 : i32 to index
          %get3A_346 = tpu.vector_load %arg15[%get3A_345] {strides = array<i32>} : memref<1040xf32, #tpu.memory_space<vmem>>, vector<16xf32>,
          %get3A_347 = vector.shape_cast %get3A_346 : vector<16xf32> to vector<16xf32>
          %add3A_348 = arith.addf %get3A_347, %select_n3A_40 : vector<16xf32>
          %swap3A_349 = arith.index_cast %squeeze3A_344 : i32 to index
          %swap3A_350 = tpu.vector_load %arg15[%swap3A_349] {strides = array<i32>} : memref<1040xf32, #tpu.memory_space<vmem>>, vector<16xf32>,
          %swap3A_351 = vector.shape_cast %swap3A_350 : vector<16xf32> to vector<16xf32>
          %swap3A_352 = vector.shape_cast %add3A_348 : vector<16xf32> to vector<16xf32>
          tpu.vector_store %arg15[%swap3A_349], %swap3A_352 {strides = array<i32>} : memref<1040xf32, #tpu.memory_space<vmem>>, vector<16xf32>,
        }
        %scan3A_190 = arith.constant 25 : i32
      } else {
      }
      %mul3A_111 = arith.constant 2 : i32
      %mul3A_112 = arith.muli %scan3A_104, %mul3A_111 : i32
      %add3A_113 = arith.constant 1 : i32
      %add3A_114 = arith.addi %mul3A_112, %add3A_113 : i32
      %lt3A_115 = arith.cmpi slt, %add3A_114, %select_n3A : i32
      %convert_element_type3A_116 = arith.extui %lt3A_115 : i1 to i32
      %cond3A_117 = arith.constant 0 : i32
      %cond3A_118 = arith.cmpi ne, %convert_element_type3A_116, %cond3A_117 : i32
      scf.if %cond3A_118 {
        %dma_wait3A_119 = arith.constant 0 : i32
        %dma_wait3A_120 = arith.constant 0 : i32
        %dma_wait3A_121 = tpu.memref_slice %arg2[%dma_wait3A_119, %dma_wait3A_120] : memref<100000x128xf32, #tpu.memory_space<hbm>> -> memref<400x128xf32, #tpu.memory_space<hbm>>
        %dma_wait3A_122 = arith.constant 0 : i32
        %dma_wait3A_123 = arith.constant 0 : i32
        %dma_wait3A_124 = tpu.memref_slice %arg2[%dma_wait3A_122, %dma_wait3A_123] : memref<100000x128xf32, #tpu.memory_space<hbm>> -> memref<400x128xf32, #tpu.memory_space<hbm>>
        tpu.wait_dma2 semaphore(%arg19 : memref<!tpu.dma_semaphore, #tpu.memory_space<semaphore_mem>>) src(%dma_wait3A_124 : memref<400x128xf32, #tpu.memory_space<hbm>>) dst(%arg10 : memref<400x128xf32, #tpu.memory_space<vmem>>)
        %dma_wait3A_125 = arith.constant 0 : i32
        %dma_wait3A_126 = arith.constant 0 : i32
        %dma_wait3A_127 = tpu.memref_slice %arg3[%dma_wait3A_125, %dma_wait3A_126] : memref<1000x100xi32, #tpu.memory_space<hbm>> -> memref<4x100xi32, #tpu.memory_space<hbm>>
        %dma_wait3A_128 = arith.constant 0 : i32
        %dma_wait3A_129 = arith.constant 0 : i32
        %dma_wait3A_130 = tpu.memref_slice %arg3[%dma_wait3A_128, %dma_wait3A_129] : memref<1000x100xi32, #tpu.memory_space<hbm>> -> memref<4x100xi32, #tpu.memory_space<hbm>>
        tpu.wait_dma2 semaphore(%arg20 : memref<!tpu.dma_semaphore, #tpu.memory_space<semaphore_mem>>) src(%dma_wait3A_130 : memref<4x100xi32, #tpu.memory_space<hbm>>) dst(%arg12 : memref<4x100xi32, #tpu.memory_space<vmem>>)
        %dma_wait3A_131 = arith.constant 0 : i32
        %dma_wait3A_132 = tpu.memref_slice %arg4[%dma_wait3A_131] : memref<100000xi32, #tpu.memory_space<hbm>> -> memref<400xi32, #tpu.memory_space<hbm>>
        %dma_wait3A_133 = arith.constant 0 : i32
        %dma_wait3A_134 = tpu.memref_slice %arg4[%dma_wait3A_133] : memref<100000xi32, #tpu.memory_space<hbm>> -> memref<400xi32, #tpu.memory_space<hbm>>
        tpu.wait_dma2 semaphore(%arg20 : memref<!tpu.dma_semaphore, #tpu.memory_space<semaphore_mem>>) src(%dma_wait3A_134 : memref<400xi32, #tpu.memory_space<hbm>>) dst(%arg14 : memref<400xi32, #tpu.memory_space<vmem>>)
        %ge3A = arith.constant 1 : i32
        %ge3A_135 = arith.cmpi sge, %add3A_114, %ge3A : i32
        %convert_element_type3A_136 = arith.extui %ge3A_135 : i1 to i32
        %cond3A_137 = arith.constant 0 : i32
        %cond3A_138 = arith.cmpi ne, %convert_element_type3A_136, %cond3A_137 : i32
        scf.if %cond3A_138 {
          %dma_wait3A_191 = arith.constant 0 : i32
          %dma_wait3A_192 = arith.constant 0 : i32
          %dma_wait3A_193 = arith.constant 0 : i32
          %dma_wait3A_194 = tpu.memref_slice %arg9[%dma_wait3A_192, %dma_wait3A_193] : memref<400x128xf32, #tpu.memory_space<vmem>> -> memref<100x128xf32, #tpu.memory_space<vmem>>
          %dma_wait3A_195 = arith.constant 0 : i32
          %dma_wait3A_196 = tpu.memref_slice %arg11[%dma_wait3A_191, %dma_wait3A_195] : memref<4x100xi32, #tpu.memory_space<vmem>> -> memref<1x100xi32, #tpu.memory_space<vmem>>
          %dma_wait3A_197 = tpu.memref_squeeze %dma_wait3A_196 : memref<1x100xi32, #tpu.memory_space<vmem>> -> memref<100xi32, #tpu.memory_space<vmem>>
          %dma_wait3A_198 = arith.constant 0 : i32
          %dma_wait3A_199 = arith.constant 0 : i32
          %dma_wait3A_200 = tpu.memref_slice %arg18[%dma_wait3A_198, %dma_wait3A_199] : memref<1024x128xf32, #tpu.memory_space<vmem_shared>> -> memref<1024x128xf32, #tpu.memory_space<vmem_shared>>
          tpu.wait_indirect_dma semaphore(%arg21 : memref<!tpu.dma_semaphore, #tpu.memory_space<semaphore_mem>>) src(%dma_wait3A_194 : memref<100x128xf32, #tpu.memory_space<vmem>>) dst(%dma_wait3A_200 : memref<1024x128xf32, #tpu.memory_space<vmem_shared>>)
          %dma_wait3A_201 = arith.constant 1 : i32
          %dma_wait3A_202 = arith.constant 100 : i32
          %dma_wait3A_203 = arith.constant 0 : i32
          %dma_wait3A_204 = tpu.memref_slice %arg9[%dma_wait3A_202, %dma_wait3A_203] : memref<400x128xf32, #tpu.memory_space<vmem>> -> memref<100x128xf32, #tpu.memory_space<vmem>>
          %dma_wait3A_205 = arith.constant 0 : i32
          %dma_wait3A_206 = tpu.memref_slice %arg11[%dma_wait3A_201, %dma_wait3A_205] : memref<4x100xi32, #tpu.memory_space<vmem>> -> memref<1x100xi32, #tpu.memory_space<vmem>>
          %dma_wait3A_207 = tpu.memref_squeeze %dma_wait3A_206 : memref<1x100xi32, #tpu.memory_space<vmem>> -> memref<100xi32, #tpu.memory_space<vmem>>
          %dma_wait3A_208 = arith.constant 0 : i32
          %dma_wait3A_209 = arith.constant 0 : i32
          %dma_wait3A_210 = tpu.memref_slice %arg18[%dma_wait3A_208, %dma_wait3A_209] : memref<1024x128xf32, #tpu.memory_space<vmem_shared>> -> memref<1024x128xf32, #tpu.memory_space<vmem_shared>>
          tpu.wait_indirect_dma semaphore(%arg21 : memref<!tpu.dma_semaphore, #tpu.memory_space<semaphore_mem>>) src(%dma_wait3A_204 : memref<100x128xf32, #tpu.memory_space<vmem>>) dst(%dma_wait3A_210 : memref<1024x128xf32, #tpu.memory_space<vmem_shared>>)
          %dma_wait3A_211 = arith.constant 2 : i32
          %dma_wait3A_212 = arith.constant 200 : i32
          %dma_wait3A_213 = arith.constant 0 : i32
          %dma_wait3A_214 = tpu.memref_slice %arg9[%dma_wait3A_212, %dma_wait3A_213] : memref<400x128xf32, #tpu.memory_space<vmem>> -> memref<100x128xf32, #tpu.memory_space<vmem>>
          %dma_wait3A_215 = arith.constant 0 : i32
          %dma_wait3A_216 = tpu.memref_slice %arg11[%dma_wait3A_211, %dma_wait3A_215] : memref<4x100xi32, #tpu.memory_space<vmem>> -> memref<1x100xi32, #tpu.memory_space<vmem>>
          %dma_wait3A_217 = tpu.memref_squeeze %dma_wait3A_216 : memref<1x100xi32, #tpu.memory_space<vmem>> -> memref<100xi32, #tpu.memory_space<vmem>>
          %dma_wait3A_218 = arith.constant 0 : i32
          %dma_wait3A_219 = arith.constant 0 : i32
          %dma_wait3A_220 = tpu.memref_slice %arg18[%dma_wait3A_218, %dma_wait3A_219] : memref<1024x128xf32, #tpu.memory_space<vmem_shared>> -> memref<1024x128xf32, #tpu.memory_space<vmem_shared>>
          tpu.wait_indirect_dma semaphore(%arg21 : memref<!tpu.dma_semaphore, #tpu.memory_space<semaphore_mem>>) src(%dma_wait3A_214 : memref<100x128xf32, #tpu.memory_space<vmem>>) dst(%dma_wait3A_220 : memref<1024x128xf32, #tpu.memory_space<vmem_shared>>)
          %dma_wait3A_221 = arith.constant 3 : i32
          %dma_wait3A_222 = arith.constant 300 : i32
          %dma_wait3A_223 = arith.constant 0 : i32
          %dma_wait3A_224 = tpu.memref_slice %arg9[%dma_wait3A_222, %dma_wait3A_223] : memref<400x128xf32, #tpu.memory_space<vmem>> -> memref<100x128xf32, #tpu.memory_space<vmem>>
          %dma_wait3A_225 = arith.constant 0 : i32
          %dma_wait3A_226 = tpu.memref_slice %arg11[%dma_wait3A_221, %dma_wait3A_225] : memref<4x100xi32, #tpu.memory_space<vmem>> -> memref<1x100xi32, #tpu.memory_space<vmem>>
          %dma_wait3A_227 = tpu.memref_squeeze %dma_wait3A_226 : memref<1x100xi32, #tpu.memory_space<vmem>> -> memref<100xi32, #tpu.memory_space<vmem>>
          %dma_wait3A_228 = arith.constant 0 : i32
          %dma_wait3A_229 = arith.constant 0 : i32
          %dma_wait3A_230 = tpu.memref_slice %arg18[%dma_wait3A_228, %dma_wait3A_229] : memref<1024x128xf32, #tpu.memory_space<vmem_shared>> -> memref<1024x128xf32, #tpu.memory_space<vmem_shared>>
          tpu.wait_indirect_dma semaphore(%arg21 : memref<!tpu.dma_semaphore, #tpu.memory_space<semaphore_mem>>) src(%dma_wait3A_224 : memref<100x128xf32, #tpu.memory_space<vmem>>) dst(%dma_wait3A_230 : memref<1024x128xf32, #tpu.memory_space<vmem_shared>>)
        } else {
        }
        %add3A_139 = arith.constant 1 : i32
        %add3A_140 = arith.addi %add3A_114, %add3A_139 : i32
        %lt3A_141 = arith.cmpi slt, %add3A_140, %select_n3A : i32
        %convert_element_type3A_142 = arith.extui %lt3A_141 : i1 to i32
        %cond3A_143 = arith.constant 0 : i32
        %cond3A_144 = arith.cmpi ne, %convert_element_type3A_142, %cond3A_143 : i32
        scf.if %cond3A_144 {
          %add3A_191 = arith.constant 1 : i32
          %add3A_192 = arith.addi %add3A_114, %add3A_191 : i32
          %mul3A_193 = arith.constant 32 : i32
          %mul3A_194 = arith.muli %mul3A_193, %add3A_192 : i32
          %add3A_195 = arith.addi %add3A, %mul3A_194 : i32
          %mul3A_196 = arith.constant 400 : i32
          %mul3A_197 = arith.muli %add3A_195, %mul3A_196 : i32
          %dma_start3A_198 = arith.constant 0 : i32
          %dma_start3A_199 = tpu.memref_slice %arg2[%mul3A_197, %dma_start3A_198] : memref<100000x128xf32, #tpu.memory_space<hbm>> -> memref<400x128xf32, #tpu.memory_space<hbm>>
          %dma_start3A_200 = arith.constant 0 : i32
          %dma_start3A_201 = tpu.memref_slice %arg2[%mul3A_197, %dma_start3A_200] : memref<100000x128xf32, #tpu.memory_space<hbm>> -> memref<400x128xf32, #tpu.memory_space<hbm>>
          tpu.enqueue_dma source(%dma_start3A_201 : memref<400x128xf32, #tpu.memory_space<hbm>>) target(%arg9 : memref<400x128xf32, #tpu.memory_space<vmem>>) target_semaphore(%arg19 : memref<!tpu.dma_semaphore, #tpu.memory_space<semaphore_mem>>)
          %mul3A_202 = arith.constant 4 : i32
          %mul3A_203 = arith.muli %add3A_195, %mul3A_202 : i32
          %dma_start3A_204 = arith.constant 0 : i32
          %dma_start3A_205 = tpu.memref_slice %arg3[%mul3A_203, %dma_start3A_204] : memref<1000x100xi32, #tpu.memory_space<hbm>> -> memref<4x100xi32, #tpu.memory_space<hbm>>
          %dma_start3A_206 = arith.constant 0 : i32
          %dma_start3A_207 = tpu.memref_slice %arg3[%mul3A_203, %dma_start3A_206] : memref<1000x100xi32, #tpu.memory_space<hbm>> -> memref<4x100xi32, #tpu.memory_space<hbm>>
          tpu.enqueue_dma source(%dma_start3A_207 : memref<4x100xi32, #tpu.memory_space<hbm>>) target(%arg11 : memref<4x100xi32, #tpu.memory_space<vmem>>) target_semaphore(%arg20 : memref<!tpu.dma_semaphore, #tpu.memory_space<semaphore_mem>>)
          %mul3A_208 = arith.constant 400 : i32
          %mul3A_209 = arith.muli %add3A_195, %mul3A_208 : i32
          %dma_start3A_210 = tpu.memref_slice %arg4[%mul3A_209] : memref<100000xi32, #tpu.memory_space<hbm>> -> memref<400xi32, #tpu.memory_space<hbm>>
          %dma_start3A_211 = tpu.memref_slice %arg4[%mul3A_209] : memref<100000xi32, #tpu.memory_space<hbm>> -> memref<400xi32, #tpu.memory_space<hbm>>
          tpu.enqueue_dma source(%dma_start3A_211 : memref<400xi32, #tpu.memory_space<hbm>>) target(%arg13 : memref<400xi32, #tpu.memory_space<vmem>>) target_semaphore(%arg20 : memref<!tpu.dma_semaphore, #tpu.memory_space<semaphore_mem>>)
        } else {
        }
        %dma_start3A_145 = arith.constant 0 : i32
        %dma_start3A_146 = arith.constant 0 : i32
        %dma_start3A_147 = arith.constant 0 : i32
        %dma_start3A_148 = tpu.memref_slice %arg10[%dma_start3A_146, %dma_start3A_147] : memref<400x128xf32, #tpu.memory_space<vmem>> -> memref<100x128xf32, #tpu.memory_space<vmem>>
        %dma_start3A_149 = arith.constant 0 : i32
        %dma_start3A_150 = tpu.memref_slice %arg12[%dma_start3A_145, %dma_start3A_149] : memref<4x100xi32, #tpu.memory_space<vmem>> -> memref<1x100xi32, #tpu.memory_space<vmem>>
        %dma_start3A_151 = tpu.memref_squeeze %dma_start3A_150 : memref<1x100xi32, #tpu.memory_space<vmem>> -> memref<100xi32, #tpu.memory_space<vmem>>
        %dma_start3A_152 = arith.constant 0 : i32
        %dma_start3A_153 = arith.constant 0 : i32
        %dma_start3A_154 = tpu.memref_slice %arg18[%dma_start3A_152, %dma_start3A_153] : memref<1024x128xf32, #tpu.memory_space<vmem_shared>> -> memref<1024x128xf32, #tpu.memory_space<vmem_shared>>
        tpu.enqueue_indirect_dma source(%dma_start3A_148 : memref<100x128xf32, #tpu.memory_space<vmem>>) target(%dma_start3A_154 : memref<1024x128xf32, #tpu.memory_space<vmem_shared>>) offsets(%dma_start3A_151 : memref<100xi32, #tpu.memory_space<vmem>>) semaphore(%arg21 : memref<!tpu.dma_semaphore, #tpu.memory_space<semaphore_mem>>) {add = true}
        %dma_start3A_155 = arith.constant 1 : i32
        %dma_start3A_156 = arith.constant 100 : i32
        %dma_start3A_157 = arith.constant 0 : i32
        %dma_start3A_158 = tpu.memref_slice %arg10[%dma_start3A_156, %dma_start3A_157] : memref<400x128xf32, #tpu.memory_space<vmem>> -> memref<100x128xf32, #tpu.memory_space<vmem>>
        %dma_start3A_159 = arith.constant 0 : i32
        %dma_start3A_160 = tpu.memref_slice %arg12[%dma_start3A_155, %dma_start3A_159] : memref<4x100xi32, #tpu.memory_space<vmem>> -> memref<1x100xi32, #tpu.memory_space<vmem>>
        %dma_start3A_161 = tpu.memref_squeeze %dma_start3A_160 : memref<1x100xi32, #tpu.memory_space<vmem>> -> memref<100xi32, #tpu.memory_space<vmem>>
        %dma_start3A_162 = arith.constant 0 : i32
        %dma_start3A_163 = arith.constant 0 : i32
        %dma_start3A_164 = tpu.memref_slice %arg18[%dma_start3A_162, %dma_start3A_163] : memref<1024x128xf32, #tpu.memory_space<vmem_shared>> -> memref<1024x128xf32, #tpu.memory_space<vmem_shared>>
        tpu.enqueue_indirect_dma source(%dma_start3A_158 : memref<100x128xf32, #tpu.memory_space<vmem>>) target(%dma_start3A_164 : memref<1024x128xf32, #tpu.memory_space<vmem_shared>>) offsets(%dma_start3A_161 : memref<100xi32, #tpu.memory_space<vmem>>) semaphore(%arg21 : memref<!tpu.dma_semaphore, #tpu.memory_space<semaphore_mem>>) {add = true}
        %dma_start3A_165 = arith.constant 2 : i32
        %dma_start3A_166 = arith.constant 200 : i32
        %dma_start3A_167 = arith.constant 0 : i32
        %dma_start3A_168 = tpu.memref_slice %arg10[%dma_start3A_166, %dma_start3A_167] : memref<400x128xf32, #tpu.memory_space<vmem>> -> memref<100x128xf32, #tpu.memory_space<vmem>>
        %dma_start3A_169 = arith.constant 0 : i32
        %dma_start3A_170 = tpu.memref_slice %arg12[%dma_start3A_165, %dma_start3A_169] : memref<4x100xi32, #tpu.memory_space<vmem>> -> memref<1x100xi32, #tpu.memory_space<vmem>>
        %dma_start3A_171 = tpu.memref_squeeze %dma_start3A_170 : memref<1x100xi32, #tpu.memory_space<vmem>> -> memref<100xi32, #tpu.memory_space<vmem>>
        %dma_start3A_172 = arith.constant 0 : i32
        %dma_start3A_173 = arith.constant 0 : i32
        %dma_start3A_174 = tpu.memref_slice %arg18[%dma_start3A_172, %dma_start3A_173] : memref<1024x128xf32, #tpu.memory_space<vmem_shared>> -> memref<1024x128xf32, #tpu.memory_space<vmem_shared>>
        tpu.enqueue_indirect_dma source(%dma_start3A_168 : memref<100x128xf32, #tpu.memory_space<vmem>>) target(%dma_start3A_174 : memref<1024x128xf32, #tpu.memory_space<vmem_shared>>) offsets(%dma_start3A_171 : memref<100xi32, #tpu.memory_space<vmem>>) semaphore(%arg21 : memref<!tpu.dma_semaphore, #tpu.memory_space<semaphore_mem>>) {add = true}
        %dma_start3A_175 = arith.constant 3 : i32
        %dma_start3A_176 = arith.constant 300 : i32
        %dma_start3A_177 = arith.constant 0 : i32
        %dma_start3A_178 = tpu.memref_slice %arg10[%dma_start3A_176, %dma_start3A_177] : memref<400x128xf32, #tpu.memory_space<vmem>> -> memref<100x128xf32, #tpu.memory_space<vmem>>
        %dma_start3A_179 = arith.constant 0 : i32
        %dma_start3A_180 = tpu.memref_slice %arg12[%dma_start3A_175, %dma_start3A_179] : memref<4x100xi32, #tpu.memory_space<vmem>> -> memref<1x100xi32, #tpu.memory_space<vmem>>
        %dma_start3A_181 = tpu.memref_squeeze %dma_start3A_180 : memref<1x100xi32, #tpu.memory_space<vmem>> -> memref<100xi32, #tpu.memory_space<vmem>>
        %dma_start3A_182 = arith.constant 0 : i32
        %dma_start3A_183 = arith.constant 0 : i32
        %dma_start3A_184 = tpu.memref_slice %arg18[%dma_start3A_182, %dma_start3A_183] : memref<1024x128xf32, #tpu.memory_space<vmem_shared>> -> memref<1024x128xf32, #tpu.memory_space<vmem_shared>>
        tpu.enqueue_indirect_dma source(%dma_start3A_178 : memref<100x128xf32, #tpu.memory_space<vmem>>) target(%dma_start3A_184 : memref<1024x128xf32, #tpu.memory_space<vmem_shared>>) offsets(%dma_start3A_181 : memref<100xi32, #tpu.memory_space<vmem>>) semaphore(%arg21 : memref<!tpu.dma_semaphore, #tpu.memory_space<semaphore_mem>>) {add = true}
        %scan3A_185 = arith.constant 0 : i32
        %scan3A_186 = arith.constant 0 : i32
        %scan3A_187 = arith.constant 25 : i32
        %scan3A_188 = arith.addi %scan3A_186, %scan3A_187 : i32
        %scan3A_189 = arith.constant 1 : i32
        scf.for %scan3A_191 = %scan3A_186 to %scan3A_188 step %scan3A_189  : i32 {
          %mul3A_192 = arith.constant 16 : i32
          %mul3A_193 = arith.muli %scan3A_191, %mul3A_192 : i32
          %get3A = arith.index_cast %mul3A_193 : i32 to index
          %get3A_194 = tpu.vector_load %arg14[%get3A] {strides = array<i32>} : memref<400xi32, #tpu.memory_space<vmem>>, vector<16xi32>,
          %get3A_195 = vector.shape_cast %get3A_194 : vector<16xi32> to vector<16xi32>
          %slice3A = vector.extract_strided_slice %get3A_195 {offsets = [0], sizes = [1], strides = [1]} : vector<16xi32> to vector<1xi32>
          %squeeze3A = vector.extract %slice3A[0] : i32 from vector<1xi32>
          %get3A_196 = arith.index_cast %squeeze3A : i32 to index
          %get3A_197 = tpu.vector_load %arg15[%get3A_196] {strides = array<i32>} : memref<1040xf32, #tpu.memory_space<vmem>>, vector<16xf32>,
          %get3A_198 = vector.shape_cast %get3A_197 : vector<16xf32> to vector<16xf32>
          %add3A_199 = arith.addf %get3A_198, %select_n3A_40 : vector<16xf32>
          %swap3A = arith.index_cast %squeeze3A : i32 to index
          %swap3A_200 = tpu.vector_load %arg15[%swap3A] {strides = array<i32>} : memref<1040xf32, #tpu.memory_space<vmem>>, vector<16xf32>,
          %swap3A_201 = vector.shape_cast %swap3A_200 : vector<16xf32> to vector<16xf32>
          %swap3A_202 = vector.shape_cast %add3A_199 : vector<16xf32> to vector<16xf32>
          tpu.vector_store %arg15[%swap3A], %swap3A_202 {strides = array<i32>} : memref<1040xf32, #tpu.memory_space<vmem>>, vector<16xf32>,
          %slice3A_203 = vector.extract_strided_slice %get3A_195 {offsets = [1], sizes = [1], strides = [1]} : vector<16xi32> to vector<1xi32>
          %squeeze3A_204 = vector.extract %slice3A_203[0] : i32 from vector<1xi32>
          %get3A_205 = arith.index_cast %squeeze3A_204 : i32 to index
          %get3A_206 = tpu.vector_load %arg15[%get3A_205] {strides = array<i32>} : memref<1040xf32, #tpu.memory_space<vmem>>, vector<16xf32>,
          %get3A_207 = vector.shape_cast %get3A_206 : vector<16xf32> to vector<16xf32>
          %add3A_208 = arith.addf %get3A_207, %select_n3A_40 : vector<16xf32>
          %swap3A_209 = arith.index_cast %squeeze3A_204 : i32 to index
          %swap3A_210 = tpu.vector_load %arg15[%swap3A_209] {strides = array<i32>} : memref<1040xf32, #tpu.memory_space<vmem>>, vector<16xf32>,
          %swap3A_211 = vector.shape_cast %swap3A_210 : vector<16xf32> to vector<16xf32>
          %swap3A_212 = vector.shape_cast %add3A_208 : vector<16xf32> to vector<16xf32>
          tpu.vector_store %arg15[%swap3A_209], %swap3A_212 {strides = array<i32>} : memref<1040xf32, #tpu.memory_space<vmem>>, vector<16xf32>,
          %slice3A_213 = vector.extract_strided_slice %get3A_195 {offsets = [2], sizes = [1], strides = [1]} : vector<16xi32> to vector<1xi32>
          %squeeze3A_214 = vector.extract %slice3A_213[0] : i32 from vector<1xi32>
          %get3A_215 = arith.index_cast %squeeze3A_214 : i32 to index
          %get3A_216 = tpu.vector_load %arg15[%get3A_215] {strides = array<i32>} : memref<1040xf32, #tpu.memory_space<vmem>>, vector<16xf32>,
          %get3A_217 = vector.shape_cast %get3A_216 : vector<16xf32> to vector<16xf32>
          %add3A_218 = arith.addf %get3A_217, %select_n3A_40 : vector<16xf32>
          %swap3A_219 = arith.index_cast %squeeze3A_214 : i32 to index
          %swap3A_220 = tpu.vector_load %arg15[%swap3A_219] {strides = array<i32>} : memref<1040xf32, #tpu.memory_space<vmem>>, vector<16xf32>,
          %swap3A_221 = vector.shape_cast %swap3A_220 : vector<16xf32> to vector<16xf32>
          %swap3A_222 = vector.shape_cast %add3A_218 : vector<16xf32> to vector<16xf32>
          tpu.vector_store %arg15[%swap3A_219], %swap3A_222 {strides = array<i32>} : memref<1040xf32, #tpu.memory_space<vmem>>, vector<16xf32>,
          %slice3A_223 = vector.extract_strided_slice %get3A_195 {offsets = [3], sizes = [1], strides = [1]} : vector<16xi32> to vector<1xi32>
          %squeeze3A_224 = vector.extract %slice3A_223[0] : i32 from vector<1xi32>
          %get3A_225 = arith.index_cast %squeeze3A_224 : i32 to index
          %get3A_226 = tpu.vector_load %arg15[%get3A_225] {strides = array<i32>} : memref<1040xf32, #tpu.memory_space<vmem>>, vector<16xf32>,
          %get3A_227 = vector.shape_cast %get3A_226 : vector<16xf32> to vector<16xf32>
          %add3A_228 = arith.addf %get3A_227, %select_n3A_40 : vector<16xf32>
          %swap3A_229 = arith.index_cast %squeeze3A_224 : i32 to index
          %swap3A_230 = tpu.vector_load %arg15[%swap3A_229] {strides = array<i32>} : memref<1040xf32, #tpu.memory_space<vmem>>, vector<16xf32>,
          %swap3A_231 = vector.shape_cast %swap3A_230 : vector<16xf32> to vector<16xf32>
          %swap3A_232 = vector.shape_cast %add3A_228 : vector<16xf32> to vector<16xf32>
          tpu.vector_store %arg15[%swap3A_229], %swap3A_232 {strides = array<i32>} : memref<1040xf32, #tpu.memory_space<vmem>>, vector<16xf32>,
          %slice3A_233 = vector.extract_strided_slice %get3A_195 {offsets = [4], sizes = [1], strides = [1]} : vector<16xi32> to vector<1xi32>
          %squeeze3A_234 = vector.extract %slice3A_233[0] : i32 from vector<1xi32>
          %get3A_235 = arith.index_cast %squeeze3A_234 : i32 to index
          %get3A_236 = tpu.vector_load %arg15[%get3A_235] {strides = array<i32>} : memref<1040xf32, #tpu.memory_space<vmem>>, vector<16xf32>,
          %get3A_237 = vector.shape_cast %get3A_236 : vector<16xf32> to vector<16xf32>
          %add3A_238 = arith.addf %get3A_237, %select_n3A_40 : vector<16xf32>
          %swap3A_239 = arith.index_cast %squeeze3A_234 : i32 to index
          %swap3A_240 = tpu.vector_load %arg15[%swap3A_239] {strides = array<i32>} : memref<1040xf32, #tpu.memory_space<vmem>>, vector<16xf32>,
          %swap3A_241 = vector.shape_cast %swap3A_240 : vector<16xf32> to vector<16xf32>
          %swap3A_242 = vector.shape_cast %add3A_238 : vector<16xf32> to vector<16xf32>
          tpu.vector_store %arg15[%swap3A_239], %swap3A_242 {strides = array<i32>} : memref<1040xf32, #tpu.memory_space<vmem>>, vector<16xf32>,
          %slice3A_243 = vector.extract_strided_slice %get3A_195 {offsets = [5], sizes = [1], strides = [1]} : vector<16xi32> to vector<1xi32>
          %squeeze3A_244 = vector.extract %slice3A_243[0] : i32 from vector<1xi32>
          %get3A_245 = arith.index_cast %squeeze3A_244 : i32 to index
          %get3A_246 = tpu.vector_load %arg15[%get3A_245] {strides = array<i32>} : memref<1040xf32, #tpu.memory_space<vmem>>, vector<16xf32>,
          %get3A_247 = vector.shape_cast %get3A_246 : vector<16xf32> to vector<16xf32>
          %add3A_248 = arith.addf %get3A_247, %select_n3A_40 : vector<16xf32>
          %swap3A_249 = arith.index_cast %squeeze3A_244 : i32 to index
          %swap3A_250 = tpu.vector_load %arg15[%swap3A_249] {strides = array<i32>} : memref<1040xf32, #tpu.memory_space<vmem>>, vector<16xf32>,
          %swap3A_251 = vector.shape_cast %swap3A_250 : vector<16xf32> to vector<16xf32>
          %swap3A_252 = vector.shape_cast %add3A_248 : vector<16xf32> to vector<16xf32>
          tpu.vector_store %arg15[%swap3A_249], %swap3A_252 {strides = array<i32>} : memref<1040xf32, #tpu.memory_space<vmem>>, vector<16xf32>,
          %slice3A_253 = vector.extract_strided_slice %get3A_195 {offsets = [6], sizes = [1], strides = [1]} : vector<16xi32> to vector<1xi32>
          %squeeze3A_254 = vector.extract %slice3A_253[0] : i32 from vector<1xi32>
          %get3A_255 = arith.index_cast %squeeze3A_254 : i32 to index
          %get3A_256 = tpu.vector_load %arg15[%get3A_255] {strides = array<i32>} : memref<1040xf32, #tpu.memory_space<vmem>>, vector<16xf32>,
          %get3A_257 = vector.shape_cast %get3A_256 : vector<16xf32> to vector<16xf32>
          %add3A_258 = arith.addf %get3A_257, %select_n3A_40 : vector<16xf32>
          %swap3A_259 = arith.index_cast %squeeze3A_254 : i32 to index
          %swap3A_260 = tpu.vector_load %arg15[%swap3A_259] {strides = array<i32>} : memref<1040xf32, #tpu.memory_space<vmem>>, vector<16xf32>,
          %swap3A_261 = vector.shape_cast %swap3A_260 : vector<16xf32> to vector<16xf32>
          %swap3A_262 = vector.shape_cast %add3A_258 : vector<16xf32> to vector<16xf32>
          tpu.vector_store %arg15[%swap3A_259], %swap3A_262 {strides = array<i32>} : memref<1040xf32, #tpu.memory_space<vmem>>, vector<16xf32>,
          %slice3A_263 = vector.extract_strided_slice %get3A_195 {offsets = [7], sizes = [1], strides = [1]} : vector<16xi32> to vector<1xi32>
          %squeeze3A_264 = vector.extract %slice3A_263[0] : i32 from vector<1xi32>
          %get3A_265 = arith.index_cast %squeeze3A_264 : i32 to index
          %get3A_266 = tpu.vector_load %arg15[%get3A_265] {strides = array<i32>} : memref<1040xf32, #tpu.memory_space<vmem>>, vector<16xf32>,
          %get3A_267 = vector.shape_cast %get3A_266 : vector<16xf32> to vector<16xf32>
          %add3A_268 = arith.addf %get3A_267, %select_n3A_40 : vector<16xf32>
          %swap3A_269 = arith.index_cast %squeeze3A_264 : i32 to index
          %swap3A_270 = tpu.vector_load %arg15[%swap3A_269] {strides = array<i32>} : memref<1040xf32, #tpu.memory_space<vmem>>, vector<16xf32>,
          %swap3A_271 = vector.shape_cast %swap3A_270 : vector<16xf32> to vector<16xf32>
          %swap3A_272 = vector.shape_cast %add3A_268 : vector<16xf32> to vector<16xf32>
          tpu.vector_store %arg15[%swap3A_269], %swap3A_272 {strides = array<i32>} : memref<1040xf32, #tpu.memory_space<vmem>>, vector<16xf32>,
          %slice3A_273 = vector.extract_strided_slice %get3A_195 {offsets = [8], sizes = [1], strides = [1]} : vector<16xi32> to vector<1xi32>
          %squeeze3A_274 = vector.extract %slice3A_273[0] : i32 from vector<1xi32>
          %get3A_275 = arith.index_cast %squeeze3A_274 : i32 to index
          %get3A_276 = tpu.vector_load %arg15[%get3A_275] {strides = array<i32>} : memref<1040xf32, #tpu.memory_space<vmem>>, vector<16xf32>,
          %get3A_277 = vector.shape_cast %get3A_276 : vector<16xf32> to vector<16xf32>
          %add3A_278 = arith.addf %get3A_277, %select_n3A_40 : vector<16xf32>
          %swap3A_279 = arith.index_cast %squeeze3A_274 : i32 to index
          %swap3A_280 = tpu.vector_load %arg15[%swap3A_279] {strides = array<i32>} : memref<1040xf32, #tpu.memory_space<vmem>>, vector<16xf32>,
          %swap3A_281 = vector.shape_cast %swap3A_280 : vector<16xf32> to vector<16xf32>
          %swap3A_282 = vector.shape_cast %add3A_278 : vector<16xf32> to vector<16xf32>
          tpu.vector_store %arg15[%swap3A_279], %swap3A_282 {strides = array<i32>} : memref<1040xf32, #tpu.memory_space<vmem>>, vector<16xf32>,
          %slice3A_283 = vector.extract_strided_slice %get3A_195 {offsets = [9], sizes = [1], strides = [1]} : vector<16xi32> to vector<1xi32>
          %squeeze3A_284 = vector.extract %slice3A_283[0] : i32 from vector<1xi32>
          %get3A_285 = arith.index_cast %squeeze3A_284 : i32 to index
          %get3A_286 = tpu.vector_load %arg15[%get3A_285] {strides = array<i32>} : memref<1040xf32, #tpu.memory_space<vmem>>, vector<16xf32>,
          %get3A_287 = vector.shape_cast %get3A_286 : vector<16xf32> to vector<16xf32>
          %add3A_288 = arith.addf %get3A_287, %select_n3A_40 : vector<16xf32>
          %swap3A_289 = arith.index_cast %squeeze3A_284 : i32 to index
          %swap3A_290 = tpu.vector_load %arg15[%swap3A_289] {strides = array<i32>} : memref<1040xf32, #tpu.memory_space<vmem>>, vector<16xf32>,
          %swap3A_291 = vector.shape_cast %swap3A_290 : vector<16xf32> to vector<16xf32>
          %swap3A_292 = vector.shape_cast %add3A_288 : vector<16xf32> to vector<16xf32>
          tpu.vector_store %arg15[%swap3A_289], %swap3A_292 {strides = array<i32>} : memref<1040xf32, #tpu.memory_space<vmem>>, vector<16xf32>,
          %slice3A_293 = vector.extract_strided_slice %get3A_195 {offsets = [10], sizes = [1], strides = [1]} : vector<16xi32> to vector<1xi32>
          %squeeze3A_294 = vector.extract %slice3A_293[0] : i32 from vector<1xi32>
          %get3A_295 = arith.index_cast %squeeze3A_294 : i32 to index
          %get3A_296 = tpu.vector_load %arg15[%get3A_295] {strides = array<i32>} : memref<1040xf32, #tpu.memory_space<vmem>>, vector<16xf32>,
          %get3A_297 = vector.shape_cast %get3A_296 : vector<16xf32> to vector<16xf32>
          %add3A_298 = arith.addf %get3A_297, %select_n3A_40 : vector<16xf32>
          %swap3A_299 = arith.index_cast %squeeze3A_294 : i32 to index
          %swap3A_300 = tpu.vector_load %arg15[%swap3A_299] {strides = array<i32>} : memref<1040xf32, #tpu.memory_space<vmem>>, vector<16xf32>,
          %swap3A_301 = vector.shape_cast %swap3A_300 : vector<16xf32> to vector<16xf32>
          %swap3A_302 = vector.shape_cast %add3A_298 : vector<16xf32> to vector<16xf32>
          tpu.vector_store %arg15[%swap3A_299], %swap3A_302 {strides = array<i32>} : memref<1040xf32, #tpu.memory_space<vmem>>, vector<16xf32>,
          %slice3A_303 = vector.extract_strided_slice %get3A_195 {offsets = [11], sizes = [1], strides = [1]} : vector<16xi32> to vector<1xi32>
          %squeeze3A_304 = vector.extract %slice3A_303[0] : i32 from vector<1xi32>
          %get3A_305 = arith.index_cast %squeeze3A_304 : i32 to index
          %get3A_306 = tpu.vector_load %arg15[%get3A_305] {strides = array<i32>} : memref<1040xf32, #tpu.memory_space<vmem>>, vector<16xf32>,
          %get3A_307 = vector.shape_cast %get3A_306 : vector<16xf32> to vector<16xf32>
          %add3A_308 = arith.addf %get3A_307, %select_n3A_40 : vector<16xf32>
          %swap3A_309 = arith.index_cast %squeeze3A_304 : i32 to index
          %swap3A_310 = tpu.vector_load %arg15[%swap3A_309] {strides = array<i32>} : memref<1040xf32, #tpu.memory_space<vmem>>, vector<16xf32>,
          %swap3A_311 = vector.shape_cast %swap3A_310 : vector<16xf32> to vector<16xf32>
          %swap3A_312 = vector.shape_cast %add3A_308 : vector<16xf32> to vector<16xf32>
          tpu.vector_store %arg15[%swap3A_309], %swap3A_312 {strides = array<i32>} : memref<1040xf32, #tpu.memory_space<vmem>>, vector<16xf32>,
          %slice3A_313 = vector.extract_strided_slice %get3A_195 {offsets = [12], sizes = [1], strides = [1]} : vector<16xi32> to vector<1xi32>
          %squeeze3A_314 = vector.extract %slice3A_313[0] : i32 from vector<1xi32>
          %get3A_315 = arith.index_cast %squeeze3A_314 : i32 to index
          %get3A_316 = tpu.vector_load %arg15[%get3A_315] {strides = array<i32>} : memref<1040xf32, #tpu.memory_space<vmem>>, vector<16xf32>,
          %get3A_317 = vector.shape_cast %get3A_316 : vector<16xf32> to vector<16xf32>
          %add3A_318 = arith.addf %get3A_317, %select_n3A_40 : vector<16xf32>
          %swap3A_319 = arith.index_cast %squeeze3A_314 : i32 to index
          %swap3A_320 = tpu.vector_load %arg15[%swap3A_319] {strides = array<i32>} : memref<1040xf32, #tpu.memory_space<vmem>>, vector<16xf32>,
          %swap3A_321 = vector.shape_cast %swap3A_320 : vector<16xf32> to vector<16xf32>
          %swap3A_322 = vector.shape_cast %add3A_318 : vector<16xf32> to vector<16xf32>
          tpu.vector_store %arg15[%swap3A_319], %swap3A_322 {strides = array<i32>} : memref<1040xf32, #tpu.memory_space<vmem>>, vector<16xf32>,
          %slice3A_323 = vector.extract_strided_slice %get3A_195 {offsets = [13], sizes = [1], strides = [1]} : vector<16xi32> to vector<1xi32>
          %squeeze3A_324 = vector.extract %slice3A_323[0] : i32 from vector<1xi32>
          %get3A_325 = arith.index_cast %squeeze3A_324 : i32 to index
          %get3A_326 = tpu.vector_load %arg15[%get3A_325] {strides = array<i32>} : memref<1040xf32, #tpu.memory_space<vmem>>, vector<16xf32>,
          %get3A_327 = vector.shape_cast %get3A_326 : vector<16xf32> to vector<16xf32>
          %add3A_328 = arith.addf %get3A_327, %select_n3A_40 : vector<16xf32>
          %swap3A_329 = arith.index_cast %squeeze3A_324 : i32 to index
          %swap3A_330 = tpu.vector_load %arg15[%swap3A_329] {strides = array<i32>} : memref<1040xf32, #tpu.memory_space<vmem>>, vector<16xf32>,
          %swap3A_331 = vector.shape_cast %swap3A_330 : vector<16xf32> to vector<16xf32>
          %swap3A_332 = vector.shape_cast %add3A_328 : vector<16xf32> to vector<16xf32>
          tpu.vector_store %arg15[%swap3A_329], %swap3A_332 {strides = array<i32>} : memref<1040xf32, #tpu.memory_space<vmem>>, vector<16xf32>,
          %slice3A_333 = vector.extract_strided_slice %get3A_195 {offsets = [14], sizes = [1], strides = [1]} : vector<16xi32> to vector<1xi32>
          %squeeze3A_334 = vector.extract %slice3A_333[0] : i32 from vector<1xi32>
          %get3A_335 = arith.index_cast %squeeze3A_334 : i32 to index
          %get3A_336 = tpu.vector_load %arg15[%get3A_335] {strides = array<i32>} : memref<1040xf32, #tpu.memory_space<vmem>>, vector<16xf32>,
          %get3A_337 = vector.shape_cast %get3A_336 : vector<16xf32> to vector<16xf32>
          %add3A_338 = arith.addf %get3A_337, %select_n3A_40 : vector<16xf32>
          %swap3A_339 = arith.index_cast %squeeze3A_334 : i32 to index
          %swap3A_340 = tpu.vector_load %arg15[%swap3A_339] {strides = array<i32>} : memref<1040xf32, #tpu.memory_space<vmem>>, vector<16xf32>,
          %swap3A_341 = vector.shape_cast %swap3A_340 : vector<16xf32> to vector<16xf32>
          %swap3A_342 = vector.shape_cast %add3A_338 : vector<16xf32> to vector<16xf32>
          tpu.vector_store %arg15[%swap3A_339], %swap3A_342 {strides = array<i32>} : memref<1040xf32, #tpu.memory_space<vmem>>, vector<16xf32>,
          %slice3A_343 = vector.extract_strided_slice %get3A_195 {offsets = [15], sizes = [1], strides = [1]} : vector<16xi32> to vector<1xi32>
          %squeeze3A_344 = vector.extract %slice3A_343[0] : i32 from vector<1xi32>
          %get3A_345 = arith.index_cast %squeeze3A_344 : i32 to index
          %get3A_346 = tpu.vector_load %arg15[%get3A_345] {strides = array<i32>} : memref<1040xf32, #tpu.memory_space<vmem>>, vector<16xf32>,
          %get3A_347 = vector.shape_cast %get3A_346 : vector<16xf32> to vector<16xf32>
          %add3A_348 = arith.addf %get3A_347, %select_n3A_40 : vector<16xf32>
          %swap3A_349 = arith.index_cast %squeeze3A_344 : i32 to index
          %swap3A_350 = tpu.vector_load %arg15[%swap3A_349] {strides = array<i32>} : memref<1040xf32, #tpu.memory_space<vmem>>, vector<16xf32>,
          %swap3A_351 = vector.shape_cast %swap3A_350 : vector<16xf32> to vector<16xf32>
          %swap3A_352 = vector.shape_cast %add3A_348 : vector<16xf32> to vector<16xf32>
          tpu.vector_store %arg15[%swap3A_349], %swap3A_352 {strides = array<i32>} : memref<1040xf32, #tpu.memory_space<vmem>>, vector<16xf32>,
        }
        %scan3A_190 = arith.constant 25 : i32
      } else {
      }
    }
    %scan3A_46 = arith.constant 4 : i32
    %dma_wait3A = arith.constant 0 : i32
    %dma_wait3A_47 = arith.constant 0 : i32
    %dma_wait3A_48 = arith.constant 0 : i32
    %dma_wait3A_49 = tpu.memref_slice %arg9[%dma_wait3A_47, %dma_wait3A_48] : memref<400x128xf32, #tpu.memory_space<vmem>> -> memref<100x128xf32, #tpu.memory_space<vmem>>
    %dma_wait3A_50 = arith.constant 0 : i32
    %dma_wait3A_51 = tpu.memref_slice %arg11[%dma_wait3A, %dma_wait3A_50] : memref<4x100xi32, #tpu.memory_space<vmem>> -> memref<1x100xi32, #tpu.memory_space<vmem>>
    %dma_wait3A_52 = tpu.memref_squeeze %dma_wait3A_51 : memref<1x100xi32, #tpu.memory_space<vmem>> -> memref<100xi32, #tpu.memory_space<vmem>>
    %dma_wait3A_53 = arith.constant 0 : i32
    %dma_wait3A_54 = arith.constant 0 : i32
    %dma_wait3A_55 = tpu.memref_slice %arg18[%dma_wait3A_53, %dma_wait3A_54] : memref<1024x128xf32, #tpu.memory_space<vmem_shared>> -> memref<1024x128xf32, #tpu.memory_space<vmem_shared>>
    tpu.wait_indirect_dma semaphore(%arg21 : memref<!tpu.dma_semaphore, #tpu.memory_space<semaphore_mem>>) src(%dma_wait3A_49 : memref<100x128xf32, #tpu.memory_space<vmem>>) dst(%dma_wait3A_55 : memref<1024x128xf32, #tpu.memory_space<vmem_shared>>)
    %dma_wait3A_56 = arith.constant 1 : i32
    %dma_wait3A_57 = arith.constant 100 : i32
    %dma_wait3A_58 = arith.constant 0 : i32
    %dma_wait3A_59 = tpu.memref_slice %arg9[%dma_wait3A_57, %dma_wait3A_58] : memref<400x128xf32, #tpu.memory_space<vmem>> -> memref<100x128xf32, #tpu.memory_space<vmem>>
    %dma_wait3A_60 = arith.constant 0 : i32
    %dma_wait3A_61 = tpu.memref_slice %arg11[%dma_wait3A_56, %dma_wait3A_60] : memref<4x100xi32, #tpu.memory_space<vmem>> -> memref<1x100xi32, #tpu.memory_space<vmem>>
    %dma_wait3A_62 = tpu.memref_squeeze %dma_wait3A_61 : memref<1x100xi32, #tpu.memory_space<vmem>> -> memref<100xi32, #tpu.memory_space<vmem>>
    %dma_wait3A_63 = arith.constant 0 : i32
    %dma_wait3A_64 = arith.constant 0 : i32
    %dma_wait3A_65 = tpu.memref_slice %arg18[%dma_wait3A_63, %dma_wait3A_64] : memref<1024x128xf32, #tpu.memory_space<vmem_shared>> -> memref<1024x128xf32, #tpu.memory_space<vmem_shared>>
    tpu.wait_indirect_dma semaphore(%arg21 : memref<!tpu.dma_semaphore, #tpu.memory_space<semaphore_mem>>) src(%dma_wait3A_59 : memref<100x128xf32, #tpu.memory_space<vmem>>) dst(%dma_wait3A_65 : memref<1024x128xf32, #tpu.memory_space<vmem_shared>>)
    %dma_wait3A_66 = arith.constant 2 : i32
    %dma_wait3A_67 = arith.constant 200 : i32
    %dma_wait3A_68 = arith.constant 0 : i32
    %dma_wait3A_69 = tpu.memref_slice %arg9[%dma_wait3A_67, %dma_wait3A_68] : memref<400x128xf32, #tpu.memory_space<vmem>> -> memref<100x128xf32, #tpu.memory_space<vmem>>
    %dma_wait3A_70 = arith.constant 0 : i32
    %dma_wait3A_71 = tpu.memref_slice %arg11[%dma_wait3A_66, %dma_wait3A_70] : memref<4x100xi32, #tpu.memory_space<vmem>> -> memref<1x100xi32, #tpu.memory_space<vmem>>
    %dma_wait3A_72 = tpu.memref_squeeze %dma_wait3A_71 : memref<1x100xi32, #tpu.memory_space<vmem>> -> memref<100xi32, #tpu.memory_space<vmem>>
    %dma_wait3A_73 = arith.constant 0 : i32
    %dma_wait3A_74 = arith.constant 0 : i32
    %dma_wait3A_75 = tpu.memref_slice %arg18[%dma_wait3A_73, %dma_wait3A_74] : memref<1024x128xf32, #tpu.memory_space<vmem_shared>> -> memref<1024x128xf32, #tpu.memory_space<vmem_shared>>
    tpu.wait_indirect_dma semaphore(%arg21 : memref<!tpu.dma_semaphore, #tpu.memory_space<semaphore_mem>>) src(%dma_wait3A_69 : memref<100x128xf32, #tpu.memory_space<vmem>>) dst(%dma_wait3A_75 : memref<1024x128xf32, #tpu.memory_space<vmem_shared>>)
    %dma_wait3A_76 = arith.constant 3 : i32
    %dma_wait3A_77 = arith.constant 300 : i32
    %dma_wait3A_78 = arith.constant 0 : i32
    %dma_wait3A_79 = tpu.memref_slice %arg9[%dma_wait3A_77, %dma_wait3A_78] : memref<400x128xf32, #tpu.memory_space<vmem>> -> memref<100x128xf32, #tpu.memory_space<vmem>>
    %dma_wait3A_80 = arith.constant 0 : i32
    %dma_wait3A_81 = tpu.memref_slice %arg11[%dma_wait3A_76, %dma_wait3A_80] : memref<4x100xi32, #tpu.memory_space<vmem>> -> memref<1x100xi32, #tpu.memory_space<vmem>>
    %dma_wait3A_82 = tpu.memref_squeeze %dma_wait3A_81 : memref<1x100xi32, #tpu.memory_space<vmem>> -> memref<100xi32, #tpu.memory_space<vmem>>
    %dma_wait3A_83 = arith.constant 0 : i32
    %dma_wait3A_84 = arith.constant 0 : i32
    %dma_wait3A_85 = tpu.memref_slice %arg18[%dma_wait3A_83, %dma_wait3A_84] : memref<1024x128xf32, #tpu.memory_space<vmem_shared>> -> memref<1024x128xf32, #tpu.memory_space<vmem_shared>>
    tpu.wait_indirect_dma semaphore(%arg21 : memref<!tpu.dma_semaphore, #tpu.memory_space<semaphore_mem>>) src(%dma_wait3A_79 : memref<100x128xf32, #tpu.memory_space<vmem>>) dst(%dma_wait3A_85 : memref<1024x128xf32, #tpu.memory_space<vmem_shared>>)
    %dma_wait3A_86 = arith.constant 0 : i32
    %dma_wait3A_87 = tpu.memref_slice %arg5[%dma_wait3A_86] : memref<1024xi32, #tpu.memory_space<hbm>> -> memref<32xi32, #tpu.memory_space<hbm>>
    %dma_wait3A_88 = arith.constant 0 : i32
    %dma_wait3A_89 = tpu.memref_slice %arg5[%dma_wait3A_88] : memref<1024xi32, #tpu.memory_space<hbm>> -> memref<32xi32, #tpu.memory_space<hbm>>
    tpu.wait_dma2 semaphore(%arg22 : memref<!tpu.dma_semaphore, #tpu.memory_space<semaphore_mem>>) src(%dma_wait3A_89 : memref<32xi32, #tpu.memory_space<hbm>>) dst(%arg16 : memref<32xi32, #tpu.memory_space<vmem>>)
    %dma_start3A_90 = arith.constant 0 : i32
    %dma_start3A_91 = tpu.memref_slice %arg4[%dma_start3A_90] : memref<100000xi32, #tpu.memory_space<hbm>> -> memref<100000xi32, #tpu.memory_space<hbm>>
    tpu.enqueue_indirect_dma source(%dma_start3A_91 : memref<100000xi32, #tpu.memory_space<hbm>>) target(%arg17 : memref<32xi32, #tpu.memory_space<vmem>>) offsets(%arg16 : memref<32xi32, #tpu.memory_space<vmem>>) semaphore(%arg22 : memref<!tpu.dma_semaphore, #tpu.memory_space<semaphore_mem>>)
    %dma_wait3A_92 = arith.constant 0 : i32
    %dma_wait3A_93 = tpu.memref_slice %arg4[%dma_wait3A_92] : memref<100000xi32, #tpu.memory_space<hbm>> -> memref<100000xi32, #tpu.memory_space<hbm>>
    tpu.wait_indirect_dma semaphore(%arg22 : memref<!tpu.dma_semaphore, #tpu.memory_space<semaphore_mem>>) src(%dma_wait3A_93 : memref<100000xi32, #tpu.memory_space<hbm>>) dst(%arg17 : memref<32xi32, #tpu.memory_space<vmem>>)
    %mul3A_94 = arith.constant 32 : i32
    %mul3A_95 = arith.muli %add3A, %mul3A_94 : i32
    "tpu.region"() ({
      %run_scoped3A = tpu.sem_alloc : memref<!tpu.dma_semaphore, #tpu.memory_space<semaphore_mem>>
      %dma_start3A_104 = tpu.memref_slice %arg8[%mul3A_95] : memref<1024xi32, #tpu.memory_space<hbm>> -> memref<32xi32, #tpu.memory_space<hbm>>
      %dma_start3A_105 = tpu.memref_slice %arg8[%mul3A_95] : memref<1024xi32, #tpu.memory_space<hbm>> -> memref<32xi32, #tpu.memory_space<hbm>>
      tpu.enqueue_dma source(%arg17 : memref<32xi32, #tpu.memory_space<vmem>>) target(%dma_start3A_105 : memref<32xi32, #tpu.memory_space<hbm>>) target_semaphore(%run_scoped3A : memref<!tpu.dma_semaphore, #tpu.memory_space<semaphore_mem>>)
      %dma_wait3A_106 = tpu.memref_slice %arg8[%mul3A_95] : memref<1024xi32, #tpu.memory_space<hbm>> -> memref<32xi32, #tpu.memory_space<hbm>>
      %dma_wait3A_107 = tpu.memref_slice %arg8[%mul3A_95] : memref<1024xi32, #tpu.memory_space<hbm>> -> memref<32xi32, #tpu.memory_space<hbm>>
      tpu.wait_dma2 semaphore(%run_scoped3A : memref<!tpu.dma_semaphore, #tpu.memory_space<semaphore_mem>>) src(%arg17 : memref<32xi32, #tpu.memory_space<vmem>>) dst(%dma_wait3A_107 : memref<32xi32, #tpu.memory_space<hbm>>)
      tpu.yield
    }) : () -> ()
    %barrier3A_96 = arith.constant 0 : index
    tpu.barrier barrier_id(%barrier3A_96)
    %mul3A_97 = arith.constant 64 : i32
    %mul3A_98 = arith.muli %arg1, %mul3A_97 : i32
    %mul3A_99 = arith.constant 1024 : i32
    %mul3A_100 = arith.muli %arg0, %mul3A_99 : i32
    %mul3A_101 = arith.constant 64 : i32
    %mul3A_102 = arith.muli %arg1, %mul3A_101 : i32
    %add3A_103 = arith.addi %mul3A_100, %mul3A_102 : i32
    "tpu.region"() ({
      %run_scoped3A = tpu.sem_alloc : memref<!tpu.dma_semaphore, #tpu.memory_space<semaphore_mem>>
      %dma_start3A_104 = arith.constant 0 : i32
      %dma_start3A_105 = tpu.memref_slice %arg6[%add3A_103, %dma_start3A_104] : memref<2048x128xf32, #tpu.memory_space<hbm>> -> memref<64x128xf32, #tpu.memory_space<hbm>>
      %dma_start3A_106 = arith.constant 0 : i32
      %dma_start3A_107 = tpu.memref_slice %arg18[%mul3A_98, %dma_start3A_106] : memref<1024x128xf32, #tpu.memory_space<vmem_shared>> -> memref<64x128xf32, #tpu.memory_space<vmem_shared>>
      tpu.enqueue_dma source(%dma_start3A_107 : memref<64x128xf32, #tpu.memory_space<vmem_shared>>) target(%dma_start3A_105 : memref<64x128xf32, #tpu.memory_space<hbm>>) target_semaphore(%run_scoped3A : memref<!tpu.dma_semaphore, #tpu.memory_space<semaphore_mem>>)
      %dma_wait3A_108 = arith.constant 0 : i32
      %dma_wait3A_109 = tpu.memref_slice %arg6[%add3A_103, %dma_wait3A_108] : memref<2048x128xf32, #tpu.memory_space<hbm>> -> memref<64x128xf32, #tpu.memory_space<hbm>>
      %dma_wait3A_110 = arith.constant 0 : i32
      %dma_wait3A_111 = tpu.memref_slice %arg18[%mul3A_98, %dma_wait3A_110] : memref<1024x128xf32, #tpu.memory_space<vmem_shared>> -> memref<64x128xf32, #tpu.memory_space<vmem_shared>>
      tpu.wait_dma2 semaphore(%run_scoped3A : memref<!tpu.dma_semaphore, #tpu.memory_space<semaphore_mem>>) src(%dma_wait3A_111 : memref<64x128xf32, #tpu.memory_space<vmem_shared>>) dst(%dma_wait3A_109 : memref<64x128xf32, #tpu.memory_space<hbm>>)
      tpu.yield
    }) : () -> ()
    "tpu.region"() ({
      %run_scoped3A = tpu.sem_alloc : memref<!tpu.dma_semaphore, #tpu.memory_space<semaphore_mem>>
      %dma_start3A_104 = arith.constant 0 : i32
      %dma_start3A_105 = tpu.memref_slice %arg15[%dma_start3A_104] : memref<1040xf32, #tpu.memory_space<vmem>> -> memref<1024xf32, #tpu.memory_space<vmem>>
      %dma_start3A_106 = arith.constant 0 : i32
      %dma_start3A_107 = tpu.memref_slice %arg7[%add3A, %dma_start3A_106] : memref<32x1024xf32, #tpu.memory_space<hbm>> -> memref<1x1024xf32, #tpu.memory_space<hbm>>
      %dma_start3A_108 = tpu.memref_squeeze %dma_start3A_107 : memref<1x1024xf32, #tpu.memory_space<hbm>> -> memref<1024xf32, #tpu.memory_space<hbm>>
      %dma_start3A_109 = arith.constant 0 : i32
      %dma_start3A_110 = tpu.memref_slice %arg7[%add3A, %dma_start3A_109] : memref<32x1024xf32, #tpu.memory_space<hbm>> -> memref<1x1024xf32, #tpu.memory_space<hbm>>
      %dma_start3A_111 = tpu.memref_squeeze %dma_start3A_110 : memref<1x1024xf32, #tpu.memory_space<hbm>> -> memref<1024xf32, #tpu.memory_space<hbm>>
      %dma_start3A_112 = arith.constant 0 : i32
      %dma_start3A_113 = tpu.memref_slice %arg15[%dma_start3A_112] : memref<1040xf32, #tpu.memory_space<vmem>> -> memref<1024xf32, #tpu.memory_space<vmem>>
      tpu.enqueue_dma source(%dma_start3A_113 : memref<1024xf32, #tpu.memory_space<vmem>>) target(%dma_start3A_111 : memref<1024xf32, #tpu.memory_space<hbm>>) target_semaphore(%run_scoped3A : memref<!tpu.dma_semaphore, #tpu.memory_space<semaphore_mem>>)
      %dma_wait3A_114 = arith.constant 0 : i32
      %dma_wait3A_115 = tpu.memref_slice %arg15[%dma_wait3A_114] : memref<1040xf32, #tpu.memory_space<vmem>> -> memref<1024xf32, #tpu.memory_space<vmem>>
      %dma_wait3A_116 = arith.constant 0 : i32
      %dma_wait3A_117 = tpu.memref_slice %arg7[%add3A, %dma_wait3A_116] : memref<32x1024xf32, #tpu.memory_space<hbm>> -> memref<1x1024xf32, #tpu.memory_space<hbm>>
      %dma_wait3A_118 = tpu.memref_squeeze %dma_wait3A_117 : memref<1x1024xf32, #tpu.memory_space<hbm>> -> memref<1024xf32, #tpu.memory_space<hbm>>
      %dma_wait3A_119 = arith.constant 0 : i32
      %dma_wait3A_120 = tpu.memref_slice %arg7[%add3A, %dma_wait3A_119] : memref<32x1024xf32, #tpu.memory_space<hbm>> -> memref<1x1024xf32, #tpu.memory_space<hbm>>
      %dma_wait3A_121 = tpu.memref_squeeze %dma_wait3A_120 : memref<1x1024xf32, #tpu.memory_space<hbm>> -> memref<1024xf32, #tpu.memory_space<hbm>>
      %dma_wait3A_122 = arith.constant 0 : i32
      %dma_wait3A_123 = tpu.memref_slice %arg15[%dma_wait3A_122] : memref<1040xf32, #tpu.memory_space<vmem>> -> memref<1024xf32, #tpu.memory_space<vmem>>
      tpu.wait_dma2 semaphore(%run_scoped3A : memref<!tpu.dma_semaphore, #tpu.memory_space<semaphore_mem>>) src(%dma_wait3A_123 : memref<1024xf32, #tpu.memory_space<vmem>>) dst(%dma_wait3A_121 : memref<1024xf32, #tpu.memory_space<hbm>>)
      tpu.yield
    }) : () -> ()
    return
  }
}

module attributes {stable_mosaic.version = 14 : i64} {
  func.func @_tc_loss_body(%arg0: memref<1024x128xf32, #tpu.memory_space<vmem>>, %arg1: memref<2048x128xf32, #tpu.memory_space<vmem>>, %arg2: memref<32x1024xf32, #tpu.memory_space<vmem>>, %arg3: memref<1024x1xi32, #tpu.memory_space<vmem>>, %arg4: memref<1x1xf32, #tpu.memory_space<vmem>>) attributes {dimension_semantics = [], scalar_prefetch = 0 : i64, scratch_operands = 0 : i64, tpu.core_type = #tpu.core_type<tc>} {
    %get3A = arith.constant 0 : index
    %get3A_0 = arith.constant 0 : index
    %get3A_1 = vector.load %arg0[%get3A, %get3A_0] : memref<1024x128xf32, #tpu.memory_space<vmem>>, vector<1024x128xf32>
    %mul3A = arith.mulf %get3A_1, %get3A_1 : vector<1024x128xf32>
    %reduce_sum3A = arith.constant dense<0.000000e+00> : vector<1024xf32>
    %reduce_sum3A_2 = vector.multi_reduction <add>, %mul3A, %reduce_sum3A [1] : vector<1024x128xf32> to vector<1024xf32>
    %broadcast_in_dim3A = vector.shape_cast %reduce_sum3A_2 : vector<1024xf32> to vector<1024x1xf32>
    %sqrt3A = math.sqrt %broadcast_in_dim3A : vector<1024x1xf32>
    %max3A = arith.constant 9.99999996E-13 : f32
    %max3A_3 = vector.broadcast %max3A : f32 to vector<1024x1xf32>
    %max3A_4 = arith.maximumf %sqrt3A, %max3A_3 : vector<1024x1xf32>
    %div3A = vector.broadcast %max3A_4 : vector<1024x1xf32> to vector<1024x128xf32>
    %div3A_5 = arith.divf %get3A_1, %div3A : vector<1024x128xf32>
    %get3A_6 = arith.constant 0 : index
    %get3A_7 = arith.constant 0 : index
    %get3A_8 = vector.load %arg1[%get3A_6, %get3A_7] : memref<2048x128xf32, #tpu.memory_space<vmem>>, vector<1024x128xf32>
    %get3A_9 = arith.constant 1024 : index
    %get3A_10 = arith.constant 0 : index
    %get3A_11 = vector.load %arg1[%get3A_9, %get3A_10] : memref<2048x128xf32, #tpu.memory_space<vmem>>, vector<1024x128xf32>
    %add3A = arith.addf %get3A_8, %get3A_11 : vector<1024x128xf32>
    %get3A_12 = arith.constant 0 : index
    %get3A_13 = arith.constant 0 : index
    %get3A_14 = vector.load %arg2[%get3A_12, %get3A_13] : memref<32x1024xf32, #tpu.memory_space<vmem>>, vector<32x1024xf32>
    %reduce_sum3A_15 = arith.constant dense<0.000000e+00> : vector<1024xf32>
    %reduce_sum3A_16 = vector.multi_reduction <add>, %get3A_14, %reduce_sum3A_15 [0] : vector<32x1024xf32> to vector<1024xf32>
    %broadcast_in_dim3A_17 = vector.shape_cast %reduce_sum3A_16 : vector<1024xf32> to vector<1x1024xf32>
    %dot_general3A = arith.constant dense<0.000000e+00> : vector<1024x1024xf32>
    %dot_general3A_18 = tpu.matmul %div3A_5, %add3A, %dot_general3A {dimension_numbers = #tpu.dot_dimension_numbers<[1], [1], [0], [0], [0, 0, 1, 0], [], []>, precision = #tpu.contract_precision<fp32>, transpose_lhs_hint = false} : vector<1024x128xf32>, vector<1024x128xf32>, vector<1024x1024xf32> -> vector<1024x1024xf32>
    %div3A_19 = arith.constant 5.000000e-02 : f32
    %div3A_20 = vector.broadcast %div3A_19 : f32 to vector<1024x1024xf32>
    %div3A_21 = arith.divf %dot_general3A_18, %div3A_20 : vector<1024x1024xf32>
    %gt3A = arith.constant 0.000000e+00 : f32
    %gt3A_22 = vector.broadcast %gt3A : f32 to vector<1x1024xf32>
    %gt3A_23 = arith.cmpf ogt, %broadcast_in_dim3A_17, %gt3A_22 : vector<1x1024xf32>
    %convert_element_type3A = arith.extui %gt3A_23 : vector<1x1024xi1> to vector<1x1024xi32>
    %convert_element_type3A_24 = arith.sitofp %convert_element_type3A : vector<1x1024xi32> to vector<1x1024xf32>
    %mul3A_25 = arith.mulf %convert_element_type3A_24, %broadcast_in_dim3A_17 : vector<1x1024xf32>
    %sub3A = arith.constant 1.000000e+00 : f32
    %sub3A_26 = vector.broadcast %sub3A : f32 to vector<1x1024xf32>
    %sub3A_27 = arith.subf %sub3A_26, %convert_element_type3A_24 : vector<1x1024xf32>
    %add3A_28 = arith.addf %mul3A_25, %sub3A_27 : vector<1x1024xf32>
    %div3A_29 = vector.broadcast %add3A_28 : vector<1x1024xf32> to vector<1024x1024xf32>
    %div3A_30 = arith.divf %div3A_21, %div3A_29 : vector<1024x1024xf32>
    %exp3A = math.exp %div3A_30 : vector<1024x1024xf32>
    %mul3A_31 = vector.broadcast %convert_element_type3A_24 : vector<1x1024xf32> to vector<1024x1024xf32>
    %mul3A_32 = arith.mulf %exp3A, %mul3A_31 : vector<1024x1024xf32>
    %reduce_sum3A_33 = arith.constant dense<0.000000e+00> : vector<1024xf32>
    %reduce_sum3A_34 = vector.multi_reduction <add>, %mul3A_32, %reduce_sum3A_33 [1] : vector<1024x1024xf32> to vector<1024xf32>
    %broadcast_in_dim3A_35 = vector.shape_cast %reduce_sum3A_34 : vector<1024xf32> to vector<1024x1xf32>
    %add3A_36 = arith.constant 9.99999997E-7 : f32
    %add3A_37 = vector.broadcast %add3A_36 : f32 to vector<1024x1xf32>
    %add3A_38 = arith.addf %broadcast_in_dim3A_35, %add3A_37 : vector<1024x1xf32>
    %iota3A = tpu.iota {dimensions = array<i32: 1>} : vector<1024x1024xi32>
    %get3A_39 = arith.constant 0 : index
    %get3A_40 = arith.constant 0 : index
    %get3A_41 = vector.load %arg3[%get3A_39, %get3A_40] : memref<1024x1xi32, #tpu.memory_space<vmem>>, vector<1024x1xi32>
    %eq3A = vector.broadcast %get3A_41 : vector<1024x1xi32> to vector<1024x1024xi32>
    %eq3A_42 = arith.cmpi eq, %iota3A, %eq3A : vector<1024x1024xi32>
    %jit3A = arith.constant 0.000000e+00 : f32
    %broadcast_in_dim3A_43 = vector.broadcast %jit3A : f32 to vector<1024x1024xf32>
    %select_n3A = arith.select %eq3A_42, %mul3A_32, %broadcast_in_dim3A_43 : vector<1024x1024xi1>, vector<1024x1024xf32>
    %reduce_sum3A_44 = arith.constant dense<0.000000e+00> : vector<1024xf32>
    %reduce_sum3A_45 = vector.multi_reduction <add>, %select_n3A, %reduce_sum3A_44 [1] : vector<1024x1024xf32> to vector<1024xf32>
    %broadcast_in_dim3A_46 = vector.shape_cast %reduce_sum3A_45 : vector<1024xf32> to vector<1024x1xf32>
    %div3A_47 = arith.divf %broadcast_in_dim3A_46, %add3A_38 : vector<1024x1xf32>
    %add3A_48 = arith.constant 9.99999997E-7 : f32
    %add3A_49 = vector.broadcast %add3A_48 : f32 to vector<1024x1xf32>
    %add3A_50 = arith.addf %div3A_47, %add3A_49 : vector<1024x1xf32>
    %log3A = math.log %add3A_50 : vector<1024x1xf32>
    %reduce_sum3A_51 = arith.constant dense<0.000000e+00> : vector<1xf32>
    %reduce_sum3A_52 = vector.multi_reduction <add>, %log3A, %reduce_sum3A_51 [0] : vector<1024x1xf32> to vector<1xf32>
    %broadcast_in_dim3A_53 = vector.shape_cast %reduce_sum3A_52 : vector<1xf32> to vector<1x1xf32>
    %mul3A_54 = arith.constant -9.765625E-4 : f32
    %mul3A_55 = vector.broadcast %mul3A_54 : f32 to vector<1x1xf32>
    %mul3A_56 = arith.mulf %broadcast_in_dim3A_53, %mul3A_55 : vector<1x1xf32>
    %swap3A = arith.constant 0 : index
    %swap3A_57 = arith.constant 0 : index
    %swap3A_58 = vector.load %arg4[%swap3A, %swap3A_57] : memref<1x1xf32, #tpu.memory_space<vmem>>, vector<1x1xf32>
    tpu.vector_store %arg4[%swap3A, %swap3A_57], %mul3A_56 {strides = array<i32>} : memref<1x1xf32, #tpu.memory_space<vmem>>, vector<1x1xf32>,
    return
  }
}

</mosaic_0001>

<sc_bundles>
// kernel: kernel.4.cloned.1.call-start
scs
__scs_entry_jumppad:
0x0: {  	(pc) =	sbr.rel $0x88, $3  }
0x1: {  	(tag) =	ssettag $0x0;
	lr =	simm.s32 $0x1  }
0x2: {  	[smem:$0x3F9D] =	sst lr;
	_ =	strace $0xD0000000  }
0x3: {  	_ = 	snop  }
0x4: {  	_ = 	snop  }
0x5: {  	_ = 	snop  }
0x6: {  	_ = 	snop  }
0x7: {  	_ = 	snop  }
__scs_overlays_trampoline_lowered:
0x8: {  	[smem:$0x3FAC] =	sst s0  }
0x9: {  	[smem:$0x3FAD] =	sst s1  }
0xa: {  	[smem:$0x3FAE] =	sst s2  }
0xb: {  	[smem:$0x3FAF] =	sst s3  }
0xc: {  	[smem:$0x3FB0] =	sst s4  }
0xd: {  	[smem:$0x3FB1] =	sst s5  }
0xe: {  	[smem:$0x3FB2] =	sst s6  }
0xf: {  	[smem:$0x3FB3] =	sst s7  }
0x10: {  	[smem:$0x3FB4] =	sst s8  }
0x11: {  	[smem:$0x3FB5] =	sst s9;
	s0 =	simm.s32 @!p0 $0x0  }
0x12: {  	s1 =	sld [smem:$0x3F9B];
	s0 =	simm.s32 @p0 $0x1  }
0x13: {  	[smem:$0x3FB6] =	sst s0;
	s0 =	simm.s32 @!p1 $0x0  }
0x14: {  	s2 =	sld [smem:$0x3F9A];
	s0 =	simm.s32 @p1 $0x1  }
0x15: {  	[smem:$0x3FB7] =	sst s0;
	s0 =	simm.s32 @!p2 $0x0  }
0x16: {  	s3 =	sld [smem:$0x3FDB];
	s0 =	simm.s32 @p2 $0x1  }
0x17: {  	s4 =	simm.s32 $0x1BF5;
	[smem:$0x3FB9] =	sst s0  }
0x18: {  	s0 =	sld [smem:$0x3F9C];
	_ =	swait.ge [sflag:s4], $0x0  }
0x19: {  	s7 =	sld [smem:$0x3F9D]  }
0x1a: {  	s8 =	sadd.s32 $0xFFFFE003, lr  }
0x1b: {  	s9 =	sadd.s32 $0xFFFFFEF7, lr;
	s5 =	simm.s32 $0xFFFFFFFF;
	p2 =	slt.u32 s8, $0xFFFFF086  }
0x1c: {  	p1 =	slt.u32 s9, $0xF7A;
	s5 =	simm.s32 @!p2 $0x0  }
0x1d: {  	s5 =	simm.s32 @p1 $0x1;
	p0 =	seq.s32 s7, s2  }
0x1e: {  	s7 =	smul.u32 @!p0 $0xF7A, s2;
	p2 =	seq.s32 @!p0 s5, $0x0  }
0x1f: {  	s9 =	smul.u32 $0xF7A, s1;
	s8 =	simm.s32 @!p0 $0x1BF5;
	p2 =	por !p2, p0  }
0x20: {  	[sflag:s8] =	ssyncset.s32 @!p0 $0xFFFFF086;
	s6 =	sadd.s32 @!p0 s3, s7;
	s7 =	simm.s32 @!p0 $0x108  }
0x21: {  	s3 =	sadd.s32 s3, s9;
	s6 =	sadd.s32 @!p0 $0x88, s6;
	s7 =	simm.s32 @p2 $0x1082  }
0x22: {  	[simem:s7], [sflag:s8] =	dma.local @!p0 [hbm:s6], $0xF7A  }
0x23: {  	s9 =	sor.u32 $0xD0000000, s2;
	s6 =	simm.s32 $0x108;
	_ =	swait.ge @!p0 [sflag:s8], $0x0  }
0x24: {  	s3 =	sadd.s32 $0x88, s3;
	s6 =	simm.s32 @!p1 $0x1082;
	[sflag:s4] =	ssyncset.s32 $0xFFFFF086  }
0x25: {  	[simem:s6], [sflag:s4] =	dma.local [hbm:s3], $0xF7A  }
0x26: {  	[smem:$0x3F9D] =	sst s1;
	(tag) =	ssettag s2;
	_ =	strace s9  }
0x27: {  	s1 =	sld [smem:$0x3FAD]  }
0x28: {  	s2 =	sld [smem:$0x3FAE]  }
0x29: {  	s4 =	sld [smem:$0x3FB0]  }
0x2a: {  	p0 =	seq.s32 s5, $0x0;
	s5 =	sld [smem:$0x3FB1]  }
0x2b: {  	s6 =	sld [smem:$0x3FB2]  }
0x2c: {  	s7 =	sld [smem:$0x3FB3]  }
0x2d: {  	s3 =	simm.s32 $0x108;
	s8 =	sld [smem:$0x3FB4]  }
0x2e: {  	s3 =	simm.s32 @!p0 $0x1082;
	s9 =	sld [smem:$0x3FB5]  }
0x2f: {  	lr =	sadd.s32 s0, s3;
	s0 =	sld [smem:$0x3FAC]  }
0x30: {  	s3 =	sld [smem:$0x3FAF]  }
0x31: {  	[smem:$0x3FB8] =	sst s10  }
0x32: {  	s10 =	sld [smem:$0x3FB6];
	_ =	sdelay $0x3  }
0x33: {  	p0 =	seq.s32 s10, $0x1;
	s10 =	sld [smem:$0x3FB8];
	_ =	sdelay $0x3  }
0x34: {  	[smem:$0x3FB8] =	sst s10  }
0x35: {  	s10 =	sld [smem:$0x3FB7];
	_ =	sdelay $0x3  }
0x36: {  	p1 =	seq.s32 s10, $0x1;
	s10 =	sld [smem:$0x3FB8];
	_ =	sdelay $0x3  }
0x37: {  	[smem:$0x3FB8] =	sst s10  }
0x38: {  	s10 =	sld [smem:$0x3FB9]  }
0x39: {  	_ = 	snop;
	(pc) =	sbr.ind lr, $3  }
0x3a: {  	_ = 	snop  }
0x3b: {  	_ = 	snop  }
0x3c: {  	p2 =	seq.s32 s10, $0x1;
	s10 =	sld [smem:$0x3FB8]  }
0x3d: {  	_ =	shalt  }
0x3e: {  	_ =	shalt  }
0x3f: {  	_ =	shalt  }
0x40: {  	_ =	shalt  }
0x41: {  	_ =	shalt  }
0x42: {  	_ =	shalt  }
0x43: {  	_ =	shalt  }
0x44: {  	_ =	shalt  }
0x45: {  	_ =	shalt  }
0x46: {  	_ =	shalt  }
0x47: {  	_ =	shalt  }
0x48: {  	_ =	shalt  }
0x49: {  	_ =	shalt  }
0x4a: {  	_ =	shalt  }
0x4b: {  	_ =	shalt  }
0x4c: {  	_ =	shalt  }
0x4d: {  	_ =	shalt  }
0x4e: {  	_ =	shalt  }
0x4f: {  	_ =	shalt  }
0x50: {  	_ =	shalt  }
0x51: {  	_ =	shalt  }
0x52: {  	_ =	shalt  }
0x53: {  	_ =	shalt  }
0x54: {  	_ =	shalt  }
0x55: {  	_ =	shalt  }
0x56: {  	_ =	shalt  }
0x57: {  	_ =	shalt  }
0x58: {  	_ =	shalt  }
0x59: {  	_ =	shalt  }
0x5a: {  	_ =	shalt  }
0x5b: {  	_ =	shalt  }
0x5c: {  	_ =	shalt  }
0x5d: {  	_ =	shalt  }
0x5e: {  	_ =	shalt  }
0x5f: {  	_ =	shalt  }
0x60: {  	_ =	shalt  }
0x61: {  	_ =	shalt  }
0x62: {  	_ =	shalt  }
0x63: {  	_ =	shalt  }
0x64: {  	_ =	shalt  }
0x65: {  	_ =	shalt  }
0x66: {  	_ =	shalt  }
0x67: {  	_ =	shalt  }
0x68: {  	_ =	shalt  }
0x69: {  	_ =	shalt  }
0x6a: {  	_ =	shalt  }
0x6b: {  	_ =	shalt  }
0x6c: {  	_ =	shalt  }
0x6d: {  	_ =	shalt  }
0x6e: {  	_ =	shalt  }
0x6f: {  	_ =	shalt  }
0x70: {  	_ =	shalt  }
0x71: {  	_ =	shalt  }
0x72: {  	_ =	shalt  }
0x73: {  	_ =	shalt  }
0x74: {  	_ =	shalt  }
0x75: {  	_ =	shalt  }
0x76: {  	_ =	shalt  }
0x77: {  	_ =	shalt  }
0x78: {  	_ =	shalt  }
0x79: {  	_ =	shalt  }
0x7a: {  	_ =	shalt  }
0x7b: {  	_ =	shalt  }
0x7c: {  	_ =	shalt  }
0x7d: {  	_ =	shalt  }
0x7e: {  	_ =	shalt  }
0x7f: {  	_ =	shalt  }
0x80: {  	_ =	shalt  }
0x81: {  	_ =	shalt  }
0x82: {  	_ =	shalt  }
0x83: {  	_ =	shalt  }
0x84: {  	_ =	shalt  }
0x85: {  	_ =	shalt  }
0x86: {  	_ =	shalt  }
0x87: {  	_ =	shalt  }
.Lfunc_end0:
.L_simem_size_0:
called_computation_lowered:
.L_overlay_start_0:
0x88: {  	s2 =	sld [smem:$0x3FD9]  }
0x89: {  	s3 =	sld [smem:$0x3FFE];
	_ =	sdelay $0x1  }
0x8a: {  	s1 =	srdreg.scid  }
0x8b: {  	s0 =	sand.u32 $0x1, s1  }
0x8c: {  	s17 =	sshll.u32 s0, $0xA;
	s2 =	sadd.s32 s3, s2  }
0x8d: {  	s2 =	sadd.s32 s2, s17  }
0x8e: {  	[smem:$0x3FC4] =	sst s2  }
0x8f: {  	_ = 	snop  }
0x90: {  	s2 =	sld [smem:$0x3FC8]  }
0x91: {  	s18 =	sld [smem:$0x3FC7]  }
0x92: {  	s4 =	sld [smem:$0x3FC6];
	(tm) =	ssettm $0x1  }
0x93: {  	s5 =	sld [smem:$0x3FFB];
	_ =	sdelay $0x3  }
0x94: {  	_ =	strace s5  }
0x95: {  	s5 =	sld [smem:$0x3FFC];
	_ =	sdelay $0x3  }
0x96: {  	_ =	strace s5  }
0x97: {  	s5 =	sld [smem:$0x3FFD];
	_ =	sdelay $0x3  }
0x98: {  	_ =	strace s5  }
0x99: {  	_ =	strace $0x8FFFFFFF  }
0x9a: {  	s19 =	sld [smem:$0x3FDB];
	_ =	sdelay $0x1  }
0x9b: {  	s6 =	simm.s32 $_scs_section_size  }
0x9c: {  	s7 =	simm.s32 $_size__tile_overlayer_lowered;
	s8 =	simm.s32 $_tile_overlayer_lowered  }
0x9d: {  	s22 =	simm.s32 $0x1BFF;
	s21 =	sshll.u32 s8, $0x1;
	s5 =	sadd.s32 s6, s19  }
0x9e: {  	s9 =	simm.s32 $0x0;
	s20 =	sshll.u32 s7, $0x1;
	s7 =	sadd.s32 s21, s5  }
0x9f: {  	[timem:s9], [sflag:s22] =	dma.local [hbm:s7], s20  }
0xa0: {  	_ =	swait.ge [sflag:s22], s20  }
0xa1: {  	s6 =	ssub.s32 $0x0, s20;
	[sflag:s22] =	ssyncset.done $0x0  }
0xa2: {  	[sflag:s22] =	ssyncadd.s32 s6;
	_ =	sdelay $0x1  }
0xa3: {  	s23 =	simm.s32 $0x1B8B  }
0xa4: {  	_ =	swait.ge [sflag:s23], $0x1  }
0xa5: {  	[sflag:s23] =	ssyncset.done $0x0  }
0xa6: {  	s25 =	simm.s32 $0x1B8E;
	s24 =	sld [smem:$0x3FFE];
	[sflag:s23] =	ssyncadd.s32 $0xFFFFFFFF  }
0xa7: {  	s26 =	simm.s32 $execute0_lowered;
	[smem:$0x3FD2] =	sst s25  }
0xa8: {  	s7 =	sshll.u32 s26, $0x1;
	_ =	strace $0x80000046;
	[dreg:$0x1] =	wrdreg $0xFFFFFFFF  }
0xa9: {  	s28 =	simm.s32 $_size_execute0_lowered;
	s5 =	sadd.s32 s5, s7;
	[dreg:$0x0] =	wrdreg $0x0  }
0xaa: {  	s7 =	sshll.u32 s28, $0x1;
	[dreg:$0x2] =	wrdreg s5  }
0xab: {  	[dreg:$0x3] =	wrdreg s7  }
0xac: {  	[dreg:$0x4] =	wrdreg $0xC0  }
0xad: {  	_ =	task [dreg:s9], $0x5FFFF  }
0xae: {  	[dreg:$0x1] =	wrdreg $0xFFFFFFFF  }
0xaf: {  	[dreg:$0x0] =	wrdreg $0x60  }
0xb0: {  	[dreg:$0x2] =	wrdreg s18  }
0xb1: {  	[dreg:$0x3] =	wrdreg s24  }
0xb2: {  	[dreg:$0x4] =	wrdreg s4  }
0xb3: {  	[dreg:$0x5] =	wrdreg s2  }
0xb4: {  	[dreg:$0x6] =	wrdreg $0x19D800  }
0xb5: {  	[dreg:$0x7] =	wrdreg $0x9  }
0xb6: {  	_ =	task.clear_ibuf [dreg:s9], $0x8FFFF;
	_ =	strace $0x90000046  }
0xb7: {  	s29 =	simm.s32 $0x9;
	_ =	strace $0x80000048  }
0xb8: {  	_ =	swait.ge [sflag:s29], $0x1  }
0xb9: {  	[sflag:s29] =	ssyncadd.s32 $0xFFFFFFFF  }
0xba: {  	_ =	strace $0x90000048  }
0xbb: {  	_ =	sfence  }
0xbc: {  	s30 =	sld [smem:$0x0];
	_ =	sdelay $0x2  }
0xbd: {  	s31 =	sshll.u32 s1, $0xD;
	s1 =	sshrl.u32 s1, $0x2  }
0xbe: {  	s3 =	sand.u32 $0x4000, s31;
	s1 =	sadd.s32 s1, s30  }
0xbf: {  	s0 =	sor.u32 s3, s0;
	s1 =	sshll.u32 s1, $0x11  }
0xc0: {  	s0 =	sor.u32 s1, s0  }
0xc1: {  	s0 =	sadd.s32 $0x8F2B, s0  }
0xc2: {  	[sflag:s0] =	ssyncadd.remote.s32 $0x1  }
0xc3: {  	_ =	sfence.sel $0xFFFF  }
0xc4: {  	[dreg:$0x0] =	wrdreg $0xFFFFFFFF;
	(pc) =	sbr.abs _section_cstart, $3  }
0xc5: {  	[dreg:$0x1] =	wrdreg $0xFFFFFFFF  }
0xc6: {  	_ =	task.clear_ibuf [dreg:s9], $0x2FFFF;
	_ =	strace $0x9FFFFFFF  }
0xc7: {  	(tm) =	ssettm $0x7FFFFFFF  }
tec
execute0_lowered:
.L_overlay_start_1:
0x0: {  	(tag) =	ssettag $0x1  }
0x1: {  	s1 =	rddreg [dreg:$0x0]  }
0x2: {  	s0 =	rddreg [dreg:$0x1]  }
0x3: {  	s2 =	rddreg [dreg:$0x2]  }
0x4: {  	s3 =	rddreg [dreg:$0x3]  }
0x5: {  	s4 =	rddreg [dreg:$0x4];
	s29 =	simm.s32 $0x0  }
0x6: {  	s15 =	stileid.u32;
	s5 =	srdreg.scid;
	s28 =	simm.s32 $0x64  }
0x7: {  	s30 =	simm.s32 $0x3200;
	s31 =	simm.s32 $0x19100;
	[smem:$0x7FF] =	sst s29  }
0x8: {  	s6 =	sshll.u32 s15, $0x6;
	s5 =	sand.u32 $0x1, s5;
	s7 =	sshll.u32 s15, $0xA  }
0x9: {  	s10 =	sshll.u32 s15, $0x4;
	s21 =	sshll.u32 s15, $0xD;
	_ =	strace $0x80000047  }
0xa: {  	[dreg:$0x6] =	wrdreg s6;
	s6 =	sand.u32 $0x40, s6;
	s8 =	sshll.u32 s5, $0x4  }
0xb: {  	s9 =	sadd.s32 s7, s0;
	s14 =	sand.u32 $0x70, s10;
	s11 =	ssub.s32 $0x2, s5  }
0xc: {  	s22 =	sadd.s32 s21, s4;
	s5 =	sshll.u32 s5, $0xE;
	s21 =	simm.s32 $0x9600  }
0xd: {  	s10 =	simm.s32 $0x19200;
	s6 =	sadd.s32 s6, s0;
	s7 =	sor.u32 s15, s8  }
0xe: {  	s12 =	sadd.s32 s14, s0;
	s17 =	sshrl.u32 s11, $0x1;
	[dreg:$0xb] =	wrdreg s22  }
0xf: {  	s5 =	sadd.s32 s5, s9;
	s9 =	simm.s32 $0x3;
	s22 =	simm.s32 $0x19300  }
0x10: {  	s16 =	sshll.u32 s7, $0x2;
	s11 =	ssub.s32 s11, s17;
	s13 =	smul.u32 $0x1900, s7  }
0x11: {  	s18 =	sshll.u32 s7, $0x6;
	s8 =	sadd.s32 $0xE00, s6;
	s19 =	smul.u32 $0x32, s7  }
0x12: {  	p0 =	slt.u32 s7, $0x1A;
	s23 =	sshll.u32 s7, $0x7;
	s24 =	sadd.s32 $0x5000, s5  }
0x13: {  	s17 =	simm.s32 $0x15E00;
	s0 =	sadd.s32 s16, s0;
	s14 =	sand.u32 $0x780, s18  }
0x14: {  	s3 =	sadd.s32 s3, s16;
	[dreg:$0xd] =	wrdreg s24;
	s26 =	smax.u32 s11, $0x1  }
0x15: {  	s24 =	simm.s32 $0x19C80;
	s11 =	simm.s32 $0x19280;
	s16 =	simm.s32 $0x19380  }
0x16: {  	s13 =	sadd.s32 s1, s13;
	s20 =	sadd.s32 s14, s8;
	[dreg:$0xa] =	wrdreg s3  }
0x17: {  	s6 =	sadd.s32 s2, s19;
	s14 =	simm.s32 $0x8;
	[dreg:$0xf] =	wrdreg s26  }
0x18: {  	s3 =	sand.u32 $0xC00, s23;
	s0 =	sadd.s32 $0x4E00, s0;
	[dreg:$0x7] =	wrdreg s13  }
0x19: {  	s23 =	simm.s32 $0xC800;
	s26 =	simm.s32 $0x2;
	[dreg:$0x8] =	wrdreg s20  }
.Ltmp0:
0x1a: {  	[dreg:$0x9] =	wrdreg s6;
	s14 =	simm.s32 @!p0 $0x7;
	(pc) =	sbr.rel .LBB2_1-.Ltmp0, $4  }
0x1b: {  	s3 =	sadd.s32 s3, s12;
	[dreg:$0xc] =	wrdreg s0;
	s20 =	simm.s32 $0x19000  }
0x1c: {  	s0 =	simm.s32 $0x6400;
	s12 =	simm.s32 $0xFA00;
	s6 =	simm.s32 $0x12C00  }
0x1d: {  	v0 =	vimm.f32 $0.0e+00;
	vm0 =	vcmask $0x300;
	s13 =	simm.s32 $0x0;
	s15 =	sadd.s32 $0xFFFFFFFF, s14;
	s25 =	sadd.s32 $0xD000, s3  }
0x1e: {  	v1 =	vsel vm0, $0x3F800000, v0;
	s3 =	simm.s32 $0x19180;
	[dreg:$0xe] =	wrdreg s25;
	s25 =	simm.s32 $0x1  }
.LBB2_15:
0x1f: {  	_ =	swait.ge [sflag:s9], $0x3200  }
0x20: {  	[sflag:s9] =	ssyncset.done $0x0  }
0x21: {  	[sflag:s9] =	ssyncadd.s32 $0xFFFFCE00  }
0x22: {  	_ =	swait.ge [sflag:s9], $0x3200  }
0x23: {  	[sflag:s9] =	ssyncset.done $0x0  }
0x24: {  	[sflag:s9] =	ssyncadd.s32 $0xFFFFCE00  }
0x25: {  	_ =	swait.ge [sflag:s9], $0x3200  }
0x26: {  	[sflag:s9] =	ssyncset.done $0x0  }
0x27: {  	[sflag:s9] =	ssyncadd.s32 $0xFFFFCE00  }
0x28: {  	_ =	swait.ge [sflag:s9], $0x3200  }
0x29: {  	[sflag:s9] =	ssyncset.done $0x0  }
0x2a: {  	s5 =	simm.s32 $0x4;
	[sflag:s9] =	ssyncadd.s32 $0xFFFFCE00  }
0x2b: {  	_ =	swait.ge [sflag:s5], $0x20  }
0x2c: {  	[sflag:s5] =	ssyncset.done $0x0  }
0x2d: {  	s13 =	simm.s32 $0x20;
	s18 =	simm.s32 $0x19D00;
	[sflag:s5] =	ssyncadd.s32 $0xFFFFFFE0  }
0x2e: {  	[tilespmem:s18], [sflag:$0x4] =	stream.indirect.gather [hbm4b:s2+s13], $0x1, s24, s13, $0xb8;
	[tilespmem:$0x1BD80] =	vst v63  }
0x2f: {  	_ =	swait.ge [sflag:s5], $0x20  }
0x30: {  	[sflag:s5] =	ssyncset.done $0x0  }
0x31: {  	s19 =	rddreg [dreg:$0xc];
	[sflag:s5] =	ssyncadd.s32 $0xFFFFFFE0  }
0x32: {  	[hbm4b:s19+s29] =	stream.linear.scatter [tilespmem:s18], [sflag:$0x5], $0x20, $0x38;
	[tilespmem:$0x1BD80] =	vst v63  }
0x33: {  	s19 =	simm.s32 $0x5  }
0x34: {  	_ =	swait.ge [sflag:s19], $0x20  }
0x35: {  	[sflag:s19] =	ssyncset.done $0x0  }
0x36: {  	[sflag:s19] =	ssyncadd.s32 $0xFFFFFFE0  }
0x37: {  	[bflag:$0x0] =	sbarrier.arrive $0xFFFF  }
0x38: {  	s13 =	rddreg [dreg:$0x6]  }
0x39: {  	s18 =	rddreg [dreg:$0xb]  }
0x3a: {  	s5 =	sor.u32 $0x1C05, s13;
	s13 =	sshrl.u32 s18, $0x3;
	s18 =	rddreg [dreg:$0xd]  }
0x3b: {  	[hbm:s18], [sflag:s5] =	dma.local [spmem:s13], $0x400  }
0x3c: {  	_ =	swait.ge [sflag:s19], $0x400  }
0x3d: {  	s30 =	simm.s32 $0x19800;
	s13 =	simm.s32 $0x80;
	[sflag:s19] =	ssyncset.done $0x0  }
0x3e: {  	s18 =	simm.s32 $0x400;
	s5 =	rddreg [dreg:$0xe];
	[sflag:s19] =	ssyncadd.s32 $0xFFFFFC00  }
0x3f: {  	[hbm4b:s5+s13] =	stream.strided.scatter [tilespmem:s30], [sflag:$0x5], $0x400, s18, s13, $0x38;
	[tilespmem:$0x1BD80] =	vst v63  }
0x40: {  	_ =	swait.ge [sflag:s19], $0x400  }
0x41: {  	s5 =	rddreg [dreg:$0x10]  }
0x42: {  	s18 =	rddreg [dreg:$0xf];
	s13 =	sadd.s32 $0x1, s5  }
0x43: {  	p0 =	sne.s32 s13, s18  }
.Ltmp1:
0x44: {  	_ = 	snop;
	(pc) =	sbr.rel @!p0 .LBB2_16-.Ltmp1, $3  }
0x45: {  	_ =	sdelay $0x1  }
0x46: {  	[sflag:s19] =	ssyncset.done $0x0  }
0x47: {  	s30 =	simm.s32 $0x3200;
	[sflag:s19] =	ssyncadd.s32 $0xFFFFFC00  }
.LBB2_1:
0x48: {  	[dreg:$0x10] =	wrdreg s13  }
0x49: {  	s5 =	rddreg [dreg:$0x7]  }
0x4a: {  	[tilespmem:s29], [sflag:$0x1] =	stream.linear.gather [hbm4b:s5+s29], $0xC800, $0x38;
	[tilespmem:$0x1BD80] =	vst v63  }
0x4b: {  	s19 =	rddreg [dreg:$0x8]  }
0x4c: {  	[tilespmem:s20], [sflag:$0x2] =	stream.linear.gather [hbm4b:s19+s29], $0x200, $0x38;
	[tilespmem:$0x1BD80] =	vst v63  }
0x4d: {  	s13 =	rddreg [dreg:$0x9];
	s18 =	simm.s32 $0x19400  }
0x4e: {  	[tilespmem:s18], [sflag:$0x2] =	stream.linear.gather [hbm4b:s13+s29], $0x190, $0x38;
	[tilespmem:$0x1BD80] =	vst v63  }
0x4f: {  	s5 =	simm.s32 $0x0;
	s19 =	rddreg [dreg:$0xa]  }
0x50: {  	[tilespmem:s24], [sflag:$0x4] =	stream.linear.gather [hbm4b:s19+s29], $0x20, $0x38;
	[tilespmem:$0x1BD80] =	vst v63  }
.LBB2_2:
0x51: {  	p0 =	sne.s32 s5, $0x1000  }
.Ltmp2:
0x52: {  	_ = 	snop;
	(pc) =	sbr.rel @p0 .LBB2_2-.Ltmp2, $3  }
0x53: {  	_ =	sdelay $0x1  }
0x54: {  	s13 =	sshra.s32 s5, $0x2  }
0x55: {  	s5 =	sadd.s32 $0x40, s5;
	[tilespmem:s13+$0x19800] =	vst v0  }
0x56: {  	s5 =	simm.s32 $0x0  }
0x57: {  	s13 =	sand.u32 $0x7E00, s5  }
0x58: {  	s18 =	sand.u32 $0x70, s5;
	s19 =	sshrl.u32 s13, $0x2  }
0x59: {  	s13 =	simm.s32 $0x40;
	s18 =	sor.u32 s18, s19  }
.LBB2_4:
0x5a: {  	p0 =	sne.s32 s13, $0x7FC0  }
0x5b: {  	[tilespmem:s18+$0xC800] =	vst v0;
	s5 =	sadd.s32 $0x10, s5;
	s18 =	smov.u32 s13;
	s13 =	sadd.s32 $0x40, s13  }
.Ltmp3:
0x5c: {  	(pc) =	sbr.rel @p0 .LBB2_4-.Ltmp3, $4  }
0x5d: {  	_ = 	snop  }
0x5e: {  	s18 =	sand.u32 $0x7E00, s18  }
0x5f: {  	s19 =	sand.u32 $0x70, s5;
	s18 =	sshrl.u32 s18, $0x2  }
0x60: {  	s18 =	sor.u32 s19, s18  }
0x61: {  	[tilespmem:s18+$0xC800] =	vst v0;
	s5 =	rddreg [dreg:$0xb];
	s19 =	simm.s32 $0x5  }
0x62: {  	[spmem:s5] =	stream.linear.scatter [tilespmem:s23], [sflag:$0x5], $0x2000, $0x38;
	[tilespmem:$0x1BD80] =	vst v63  }
.Ltmp4:
0x63: {  	_ =	swait.ge [sflag:s19], $0x2000;
	(pc) =	sbr.rel .LBB2_6-.Ltmp4, $4  }
0x64: {  	[sflag:s19] =	ssyncset.done $0x0  }
0x65: {  	[sflag:s19] =	ssyncadd.s32 $0xFFFFE000  }
0x66: {  	[bflag:$0x0] =	sbarrier.arrive $0xFFFF  }
0x67: {  	s13 =	simm.s32 $0x0  }
.LBB2_14:
0x68: {  	s13 =	sadd.s32 $0x1, s13  }
0x69: {  	p0 =	sne.s32 s13, $0x4  }
.Ltmp5:
0x6a: {  	_ = 	snop;
	(pc) =	sbr.rel @!p0 .LBB2_15-.Ltmp5, $1  }
0x6b: {  	_ =	sdelay $0x3  }
.LBB2_6:
0x6c: {  	s5 =	sshll.u32 s13, $0x1  }
0x6d: {  	p0 =	sge.u32 s5, s14  }
.Ltmp6:
0x6e: {  	_ = 	snop;
	(pc) =	sbr.rel @p0 .LBB2_10-.Ltmp6, $1  }
0x6f: {  	_ =	sdelay $0x3  }
0x70: {  	_ =	swait.ge [sflag:s25], $0xC800  }
0x71: {  	[sflag:s25] =	ssyncset.done $0x0  }
0x72: {  	[sflag:s25] =	ssyncadd.s32 $0xFFFF3800  }
0x73: {  	_ =	swait.ge [sflag:s26], $0x200  }
0x74: {  	[sflag:s26] =	ssyncset.done $0x0  }
0x75: {  	[sflag:s26] =	ssyncadd.s32 $0xFFFFFE00  }
0x76: {  	_ =	swait.ge [sflag:s26], $0x190  }
0x77: {  	p1 =	seq.s32 s13, $0x0;
	[sflag:s26] =	ssyncset.done $0x0  }
0x78: {  	s18 =	simm.s32 @!p1 $0x3;
	[sflag:s26] =	ssyncadd.s32 $0xFFFFFE70  }
0x79: {  	_ =	swait.ge @!p1 [sflag:s18], $0x3200  }
0x7a: {  	[sflag:s18] =	ssyncset.done @!p1 $0x0  }
0x7b: {  	[sflag:s18] =	ssyncadd.s32 @!p1 $0xFFFFCE00  }
0x7c: {  	_ =	swait.ge @!p1 [sflag:s18], $0x3200  }
0x7d: {  	[sflag:s18] =	ssyncset.done @!p1 $0x0  }
0x7e: {  	s19 =	sor.u32 $0x1, s5;
	[sflag:s18] =	ssyncadd.s32 @!p1 $0xFFFFCE00  }
0x7f: {  	p0 =	sge.u32 s19, s14;
	_ =	swait.ge @!p1 [sflag:s18], $0x3200  }
0x80: {  	s19 =	sshll.u32 @!p0 s19, $0x5;
	[sflag:s18] =	ssyncset.done @!p1 $0x0  }
0x81: {  	s19 =	sor.u32 @!p0 s7, s19;
	[sflag:s18] =	ssyncadd.s32 @!p1 $0xFFFFCE00  }
0x82: {  	s24 =	smul.u32 @!p0 $0x1900, s19;
	_ =	swait.ge @!p1 [sflag:s18], $0x3200  }
0x83: {  	s29 =	simm.s32 @!p0 $0xC800;
	[sflag:s18] =	ssyncset.done @!p1 $0x0  }
0x84: {  	[sflag:s18] =	ssyncadd.s32 @!p1 $0xFFFFCE00;
	s18 =	sadd.s32 @!p0 s1, s24;
	s24 =	simm.s32 @!p0 $0x0  }
0x85: {  	[tilespmem:s29], [sflag:$0x1] =	stream.linear.gather @!p0 [hbm4b:s18+s24], $0xC800, $0x38;
	[tilespmem:$0x1BD80] =	vst v63  }
0x86: {  	s18 =	sshll.u32 @!p0 s19, $0x6  }
0x87: {  	s18 =	sand.u32 @!p0 $0xFFFFF80, s18  }
0x88: {  	s29 =	simm.s32 @!p0 $0x19200;
	s19 =	smul.u32 @!p0 $0x32, s19;
	s18 =	sadd.s32 @!p0 s18, s8  }
0x89: {  	[tilespmem:s29], [sflag:$0x2] =	stream.linear.gather @!p0 [hbm4b:s18+s24], $0x200, $0x38;
	[tilespmem:$0x1BD80] =	vst v63  }
0x8a: {  	s18 =	sadd.s32 @!p0 s2, s19;
	s19 =	simm.s32 @!p0 $0x19600  }
0x8b: {  	[tilespmem:s19], [sflag:$0x2] =	stream.linear.gather @!p0 [hbm4b:s18+s24], $0x190, $0x38;
	[tilespmem:$0x1BD80] =	vst v63  }
0x8c: {  	s19 =	simm.s32 $0x0  }
0x8d: {  	[spmem:s4] =	stream.indirect.scatter.add.f32 [tilespmem:s19], [sflag:$0x3], $0x80, s20, s28, $0xb8;
	[tilespmem:$0x1BD80] =	vst v63  }
0x8e: {  	s24 =	simm.s32 $0x19080  }
0x8f: {  	[spmem:s4] =	stream.indirect.scatter.add.f32 [tilespmem:s30], [sflag:$0x3], $0x80, s24, s28, $0xb8;
	[tilespmem:$0x1BD80] =	vst v63  }
0x90: {  	_ = 	snop  }
0x91: {  	[spmem:s4] =	stream.indirect.scatter.add.f32 [tilespmem:s0], [sflag:$0x3], $0x80, s31, s28, $0xb8;
	[tilespmem:$0x1BD80] =	vst v63  }
0x92: {  	s29 =	simm.s32 $0x0  }
0x93: {  	[spmem:s4] =	stream.indirect.scatter.add.f32 [tilespmem:s21], [sflag:$0x3], $0x80, s3, s28, $0xb8;
	[tilespmem:$0x1BD80] =	vst v63  }
0x94: {  	v2 =	vld [tilespmem:s29+$0x19400];
	_ =	sdelay $0x4  }
0x95: {  	v2 =	vadd.s32 $0x19800, v2  }
0x96: {  	(v2sf) =	vpush v2, $0x0;
	_ =	sdelay $0x7  }
0x97: {  	(v2sf) =	vpush v2, $0x1;
	_ =	sdelay $0x6  }
0x98: {  	s19 =	spop (v2sf)  }
0x99: {  	(v2sf) =	vpush v2, $0x2;
	v3 =	vld [tilespmem:s19+$0x0];
	_ =	sdelay $0x4  }
0x9a: {  	v3 =	vadd.f32 v1, v3;
	_ =	sdelay $0x1  }
0x9b: {  	s24 =	spop (v2sf);
	[tilespmem:s19+$0x0] =	vst v3  }
0x9c: {  	(v2sf) =	vpush v2, $0x3;
	v3 =	vld [tilespmem:s24+$0x0];
	_ =	sdelay $0x4  }
0x9d: {  	v3 =	vadd.f32 v1, v3;
	_ =	sdelay $0x1  }
0x9e: {  	s29 =	spop (v2sf);
	[tilespmem:s24+$0x0] =	vst v3  }
0x9f: {  	(v2sf) =	vpush v2, $0x4;
	v3 =	vld [tilespmem:s29+$0x0];
	_ =	sdelay $0x4  }
0xa0: {  	v3 =	vadd.f32 v1, v3;
	_ =	sdelay $0x1  }
0xa1: {  	s19 =	spop (v2sf);
	[tilespmem:s29+$0x0] =	vst v3  }
0xa2: {  	(v2sf) =	vpush v2, $0x5;
	v3 =	vld [tilespmem:s19+$0x0];
	_ =	sdelay $0x4  }
0xa3: {  	v3 =	vadd.f32 v1, v3;
	_ =	sdelay $0x1  }
0xa4: {  	s24 =	spop (v2sf);
	[tilespmem:s19+$0x0] =	vst v3  }
0xa5: {  	(v2sf) =	vpush v2, $0x6;
	v3 =	vld [tilespmem:s24+$0x0];
	_ =	sdelay $0x4  }
0xa6: {  	v3 =	vadd.f32 v1, v3;
	_ =	sdelay $0x1  }
0xa7: {  	s29 =	spop (v2sf);
	[tilespmem:s24+$0x0] =	vst v3  }
0xa8: {  	(v2sf) =	vpush v2, $0x7;
	v3 =	vld [tilespmem:s29+$0x0];
	_ =	sdelay $0x4  }
0xa9: {  	v3 =	vadd.f32 v1, v3;
	_ =	sdelay $0x1  }
0xaa: {  	s19 =	spop (v2sf);
	[tilespmem:s29+$0x0] =	vst v3  }
0xab: {  	(v2sf) =	vpush v2, $0x8;
	v3 =	vld [tilespmem:s19+$0x0];
	_ =	sdelay $0x4  }
0xac: {  	v3 =	vadd.f32 v1, v3;
	_ =	sdelay $0x1  }
0xad: {  	s24 =	spop (v2sf);
	[tilespmem:s19+$0x0] =	vst v3  }
0xae: {  	(v2sf) =	vpush v2, $0x9;
	v3 =	vld [tilespmem:s24+$0x0];
	_ =	sdelay $0x4  }
0xaf: {  	v3 =	vadd.f32 v1, v3;
	_ =	sdelay $0x1  }
0xb0: {  	s29 =	spop (v2sf);
	[tilespmem:s24+$0x0] =	vst v3  }
0xb1: {  	(v2sf) =	vpush v2, $0xA;
	v3 =	vld [tilespmem:s29+$0x0];
	_ =	sdelay $0x4  }
0xb2: {  	v3 =	vadd.f32 v1, v3;
	_ =	sdelay $0x1  }
0xb3: {  	s19 =	spop (v2sf);
	[tilespmem:s29+$0x0] =	vst v3  }
0xb4: {  	(v2sf) =	vpush v2, $0xB;
	v3 =	vld [tilespmem:s19+$0x0];
	_ =	sdelay $0x4  }
0xb5: {  	v3 =	vadd.f32 v1, v3;
	_ =	sdelay $0x1  }
0xb6: {  	s24 =	spop (v2sf);
	[tilespmem:s19+$0x0] =	vst v3  }
0xb7: {  	(v2sf) =	vpush v2, $0xC;
	v3 =	vld [tilespmem:s24+$0x0];
	_ =	sdelay $0x4  }
0xb8: {  	v3 =	vadd.f32 v1, v3;
	_ =	sdelay $0x1  }
0xb9: {  	s29 =	spop (v2sf);
	[tilespmem:s24+$0x0] =	vst v3  }
0xba: {  	(v2sf) =	vpush v2, $0xD;
	v3 =	vld [tilespmem:s29+$0x0];
	_ =	sdelay $0x4  }
0xbb: {  	v3 =	vadd.f32 v1, v3;
	_ =	sdelay $0x1  }
0xbc: {  	s19 =	spop (v2sf);
	[tilespmem:s29+$0x0] =	vst v3  }
0xbd: {  	(v2sf) =	vpush v2, $0xE;
	v3 =	vld [tilespmem:s19+$0x0];
	_ =	sdelay $0x4  }
0xbe: {  	v3 =	vadd.f32 v1, v3;
	_ =	sdelay $0x1  }
0xbf: {  	s24 =	spop (v2sf);
	[tilespmem:s19+$0x0] =	vst v3  }
0xc0: {  	(v2sf) =	vpush v2, $0xF;
	v3 =	vld [tilespmem:s24+$0x0];
	_ =	sdelay $0x4  }
0xc1: {  	v2 =	vadd.f32 v1, v3;
	_ =	sdelay $0x1  }
0xc2: {  	s29 =	spop (v2sf);
	[tilespmem:s24+$0x0] =	vst v2  }
0xc3: {  	v2 =	vld [tilespmem:s29+$0x0];
	_ =	sdelay $0x4  }
0xc4: {  	v2 =	vadd.f32 v1, v2;
	_ =	sdelay $0x1  }
0xc5: {  	s19 =	spop (v2sf);
	[tilespmem:s29+$0x0] =	vst v2  }
0xc6: {  	v2 =	vld [tilespmem:s19+$0x0];
	_ =	sdelay $0x4  }
0xc7: {  	s18 =	simm.s32 $0x40;
	s24 =	simm.s32 $0x80;
	v2 =	vadd.f32 v1, v2  }
.LBB2_8:
0xc8: {  	p0 =	sne.s32 s24, $0x600  }
0xc9: {  	s29 =	sshra.s32 s18, $0x2;
	s18 =	smov.u32 s24;
	s24 =	sadd.s32 $0x40, s24;
	[tilespmem:s19+$0x0] =	vst v2  }
0xca: {  	v2 =	vld [tilespmem:s29+$0x19400];
	_ =	sdelay $0x4  }
0xcb: {  	v2 =	vadd.s32 $0x19800, v2  }
0xcc: {  	(v2sf) =	vpush v2, $0x0;
	_ =	sdelay $0x7  }
0xcd: {  	(v2sf) =	vpush v2, $0x1;
	_ =	sdelay $0x6  }
0xce: {  	s19 =	spop (v2sf)  }
0xcf: {  	v3 =	vld [tilespmem:s19+$0x0];
	(v2sf) =	vpush v2, $0x2;
	_ =	sdelay $0x4  }
0xd0: {  	v3 =	vadd.f32 v1, v3;
	_ =	sdelay $0x1  }
0xd1: {  	[tilespmem:s19+$0x0] =	vst v3;
	s19 =	spop (v2sf)  }
0xd2: {  	v3 =	vld [tilespmem:s19+$0x0];
	(v2sf) =	vpush v2, $0x3;
	_ =	sdelay $0x4  }
0xd3: {  	v3 =	vadd.f32 v1, v3;
	_ =	sdelay $0x1  }
0xd4: {  	[tilespmem:s19+$0x0] =	vst v3;
	s19 =	spop (v2sf)  }
0xd5: {  	v3 =	vld [tilespmem:s19+$0x0];
	(v2sf) =	vpush v2, $0x4;
	_ =	sdelay $0x4  }
0xd6: {  	v3 =	vadd.f32 v1, v3;
	_ =	sdelay $0x1  }
0xd7: {  	[tilespmem:s19+$0x0] =	vst v3;
	s19 =	spop (v2sf)  }
0xd8: {  	v3 =	vld [tilespmem:s19+$0x0];
	(v2sf) =	vpush v2, $0x5;
	_ =	sdelay $0x4  }
0xd9: {  	v3 =	vadd.f32 v1, v3;
	_ =	sdelay $0x1  }
0xda: {  	[tilespmem:s19+$0x0] =	vst v3;
	s19 =	spop (v2sf)  }
0xdb: {  	v3 =	vld [tilespmem:s19+$0x0];
	(v2sf) =	vpush v2, $0x6;
	_ =	sdelay $0x4  }
0xdc: {  	v3 =	vadd.f32 v1, v3;
	_ =	sdelay $0x1  }
0xdd: {  	[tilespmem:s19+$0x0] =	vst v3;
	s19 =	spop (v2sf)  }
0xde: {  	v3 =	vld [tilespmem:s19+$0x0];
	(v2sf) =	vpush v2, $0x7;
	_ =	sdelay $0x4  }
0xdf: {  	v3 =	vadd.f32 v1, v3;
	_ =	sdelay $0x1  }
0xe0: {  	[tilespmem:s19+$0x0] =	vst v3;
	s19 =	spop (v2sf)  }
0xe1: {  	v3 =	vld [tilespmem:s19+$0x0];
	(v2sf) =	vpush v2, $0x8;
	_ =	sdelay $0x4  }
0xe2: {  	v3 =	vadd.f32 v1, v3;
	_ =	sdelay $0x1  }
0xe3: {  	[tilespmem:s19+$0x0] =	vst v3;
	s19 =	spop (v2sf)  }
0xe4: {  	v3 =	vld [tilespmem:s19+$0x0];
	(v2sf) =	vpush v2, $0x9;
	_ =	sdelay $0x4  }
0xe5: {  	v3 =	vadd.f32 v1, v3;
	_ =	sdelay $0x1  }
0xe6: {  	[tilespmem:s19+$0x0] =	vst v3;
	s19 =	spop (v2sf)  }
0xe7: {  	v3 =	vld [tilespmem:s19+$0x0];
	(v2sf) =	vpush v2, $0xA;
	_ =	sdelay $0x4  }
0xe8: {  	v3 =	vadd.f32 v1, v3;
	_ =	sdelay $0x1  }
0xe9: {  	[tilespmem:s19+$0x0] =	vst v3;
	s19 =	spop (v2sf)  }
0xea: {  	v3 =	vld [tilespmem:s19+$0x0];
	(v2sf) =	vpush v2, $0xB;
	_ =	sdelay $0x4  }
0xeb: {  	v3 =	vadd.f32 v1, v3;
	_ =	sdelay $0x1  }
0xec: {  	[tilespmem:s19+$0x0] =	vst v3;
	s19 =	spop (v2sf)  }
0xed: {  	v3 =	vld [tilespmem:s19+$0x0];
	(v2sf) =	vpush v2, $0xC;
	_ =	sdelay $0x4  }
0xee: {  	v3 =	vadd.f32 v1, v3;
	_ =	sdelay $0x1  }
0xef: {  	[tilespmem:s19+$0x0] =	vst v3;
	s19 =	spop (v2sf)  }
0xf0: {  	v3 =	vld [tilespmem:s19+$0x0];
	(v2sf) =	vpush v2, $0xD;
	_ =	sdelay $0x4  }
0xf1: {  	v3 =	vadd.f32 v1, v3;
	_ =	sdelay $0x1  }
0xf2: {  	[tilespmem:s19+$0x0] =	vst v3;
	s19 =	spop (v2sf)  }
0xf3: {  	v3 =	vld [tilespmem:s19+$0x0];
	(v2sf) =	vpush v2, $0xE;
	_ =	sdelay $0x4  }
0xf4: {  	v3 =	vadd.f32 v1, v3;
	_ =	sdelay $0x1  }
0xf5: {  	[tilespmem:s19+$0x0] =	vst v3;
	s19 =	spop (v2sf)  }
0xf6: {  	v3 =	vld [tilespmem:s19+$0x0];
	(v2sf) =	vpush v2, $0xF;
	_ =	sdelay $0x4  }
0xf7: {  	v2 =	vadd.f32 v1, v3;
	_ =	sdelay $0x1  }
0xf8: {  	[tilespmem:s19+$0x0] =	vst v2;
	s19 =	spop (v2sf)  }
0xf9: {  	v2 =	vld [tilespmem:s19+$0x0];
	_ =	sdelay $0x4  }
0xfa: {  	v2 =	vadd.f32 v1, v2;
	_ =	sdelay $0x1  }
0xfb: {  	[tilespmem:s19+$0x0] =	vst v2;
	s19 =	spop (v2sf)  }
0xfc: {  	v2 =	vld [tilespmem:s19+$0x0]  }
.Ltmp7:
0xfd: {  	(pc) =	sbr.rel @p0 .LBB2_8-.Ltmp7, $2  }
0xfe: {  	_ =	sdelay $0x2  }
0xff: {  	v2 =	vadd.f32 v1, v2  }
0x100: {  	_ = 	snop  }
0x101: {  	s18 =	sshra.s32 s18, $0x2;
	[tilespmem:s19+$0x0] =	vst v2  }
0x102: {  	v2 =	vld [tilespmem:s18+$0x19400];
	_ =	sdelay $0x4  }
0x103: {  	v2 =	vadd.s32 $0x19800, v2  }
0x104: {  	(v2sf) =	vpush v2, $0x0;
	_ =	sdelay $0x7  }
0x105: {  	(v2sf) =	vpush v2, $0x1;
	_ =	sdelay $0x6  }
0x106: {  	s19 =	spop (v2sf)  }
0x107: {  	(v2sf) =	vpush v2, $0x2;
	v3 =	vld [tilespmem:s19+$0x0];
	_ =	sdelay $0x4  }
0x108: {  	v3 =	vadd.f32 v1, v3;
	_ =	sdelay $0x1  }
0x109: {  	s24 =	spop (v2sf);
	[tilespmem:s19+$0x0] =	vst v3  }
0x10a: {  	(v2sf) =	vpush v2, $0x3;
	v3 =	vld [tilespmem:s24+$0x0];
	_ =	sdelay $0x4  }
0x10b: {  	v3 =	vadd.f32 v1, v3;
	_ =	sdelay $0x1  }
0x10c: {  	s19 =	spop (v2sf);
	[tilespmem:s24+$0x0] =	vst v3  }
0x10d: {  	(v2sf) =	vpush v2, $0x4;
	v3 =	vld [tilespmem:s19+$0x0];
	_ =	sdelay $0x4  }
0x10e: {  	v3 =	vadd.f32 v1, v3;
	_ =	sdelay $0x1  }
0x10f: {  	s24 =	spop (v2sf);
	[tilespmem:s19+$0x0] =	vst v3  }
0x110: {  	(v2sf) =	vpush v2, $0x5;
	v3 =	vld [tilespmem:s24+$0x0];
	_ =	sdelay $0x4  }
0x111: {  	v3 =	vadd.f32 v1, v3;
	_ =	sdelay $0x1  }
0x112: {  	s19 =	spop (v2sf);
	[tilespmem:s24+$0x0] =	vst v3  }
0x113: {  	(v2sf) =	vpush v2, $0x6;
	v3 =	vld [tilespmem:s19+$0x0];
	_ =	sdelay $0x4  }
0x114: {  	v3 =	vadd.f32 v1, v3;
	_ =	sdelay $0x1  }
0x115: {  	s24 =	spop (v2sf);
	[tilespmem:s19+$0x0] =	vst v3  }
0x116: {  	(v2sf) =	vpush v2, $0x7;
	v3 =	vld [tilespmem:s24+$0x0];
	_ =	sdelay $0x4  }
0x117: {  	v3 =	vadd.f32 v1, v3;
	_ =	sdelay $0x1  }
0x118: {  	s19 =	spop (v2sf);
	[tilespmem:s24+$0x0] =	vst v3  }
0x119: {  	(v2sf) =	vpush v2, $0x8;
	v3 =	vld [tilespmem:s19+$0x0];
	_ =	sdelay $0x4  }
0x11a: {  	v3 =	vadd.f32 v1, v3;
	_ =	sdelay $0x1  }
0x11b: {  	s24 =	spop (v2sf);
	[tilespmem:s19+$0x0] =	vst v3  }
0x11c: {  	(v2sf) =	vpush v2, $0x9;
	v3 =	vld [tilespmem:s24+$0x0];
	_ =	sdelay $0x4  }
0x11d: {  	v3 =	vadd.f32 v1, v3;
	_ =	sdelay $0x1  }
0x11e: {  	s19 =	spop (v2sf);
	[tilespmem:s24+$0x0] =	vst v3  }
0x11f: {  	(v2sf) =	vpush v2, $0xA;
	v3 =	vld [tilespmem:s19+$0x0];
	_ =	sdelay $0x4  }
0x120: {  	v3 =	vadd.f32 v1, v3;
	_ =	sdelay $0x1  }
0x121: {  	s24 =	spop (v2sf);
	[tilespmem:s19+$0x0] =	vst v3  }
0x122: {  	(v2sf) =	vpush v2, $0xB;
	v3 =	vld [tilespmem:s24+$0x0];
	_ =	sdelay $0x4  }
0x123: {  	v3 =	vadd.f32 v1, v3;
	_ =	sdelay $0x1  }
0x124: {  	s19 =	spop (v2sf);
	[tilespmem:s24+$0x0] =	vst v3  }
0x125: {  	(v2sf) =	vpush v2, $0xC;
	v3 =	vld [tilespmem:s19+$0x0];
	_ =	sdelay $0x4  }
0x126: {  	v3 =	vadd.f32 v1, v3;
	_ =	sdelay $0x1  }
0x127: {  	s24 =	spop (v2sf);
	[tilespmem:s19+$0x0] =	vst v3  }
0x128: {  	(v2sf) =	vpush v2, $0xD;
	v3 =	vld [tilespmem:s24+$0x0];
	_ =	sdelay $0x4  }
0x129: {  	v3 =	vadd.f32 v1, v3;
	_ =	sdelay $0x1  }
0x12a: {  	s19 =	spop (v2sf);
	[tilespmem:s24+$0x0] =	vst v3  }
0x12b: {  	(v2sf) =	vpush v2, $0xE;
	v3 =	vld [tilespmem:s19+$0x0];
	_ =	sdelay $0x4  }
0x12c: {  	v3 =	vadd.f32 v1, v3;
	_ =	sdelay $0x1  }
0x12d: {  	s24 =	spop (v2sf);
	[tilespmem:s19+$0x0] =	vst v3  }
0x12e: {  	(v2sf) =	vpush v2, $0xF;
	v3 =	vld [tilespmem:s24+$0x0];
	_ =	sdelay $0x4  }
0x12f: {  	v2 =	vadd.f32 v1, v3;
	_ =	sdelay $0x1  }
0x130: {  	s19 =	spop (v2sf);
	[tilespmem:s24+$0x0] =	vst v2  }
0x131: {  	v2 =	vld [tilespmem:s19+$0x0];
	_ =	sdelay $0x4  }
0x132: {  	v2 =	vadd.f32 v1, v2;
	_ =	sdelay $0x1  }
0x133: {  	s24 =	spop (v2sf);
	[tilespmem:s19+$0x0] =	vst v2  }
0x134: {  	v2 =	vld [tilespmem:s24+$0x0];
	_ =	sdelay $0x4  }
0x135: {  	v2 =	vadd.f32 v1, v2;
	_ =	sdelay $0x1  }
0x136: {  	s29 =	simm.s32 $0x0;
	[tilespmem:s24+$0x0] =	vst v2;
	s24 =	simm.s32 $0x19C80  }
.LBB2_10:
0x137: {  	p0 =	sge.u32 s5, s15  }
.Ltmp8:
0x138: {  	_ = 	snop;
	(pc) =	sbr.rel @p0 .LBB2_14-.Ltmp8, $1  }
0x139: {  	_ =	sdelay $0x3  }
0x13a: {  	_ =	swait.ge [sflag:s25], $0xC800  }
0x13b: {  	[sflag:s25] =	ssyncset.done $0x0  }
0x13c: {  	[sflag:s25] =	ssyncadd.s32 $0xFFFF3800  }
0x13d: {  	_ =	swait.ge [sflag:s26], $0x200  }
0x13e: {  	[sflag:s26] =	ssyncset.done $0x0  }
0x13f: {  	[sflag:s26] =	ssyncadd.s32 $0xFFFFFE00  }
0x140: {  	_ =	swait.ge [sflag:s26], $0x190  }
0x141: {  	[sflag:s26] =	ssyncset.done $0x0  }
0x142: {  	[sflag:s26] =	ssyncadd.s32 $0xFFFFFE70  }
0x143: {  	_ =	swait.ge [sflag:s9], $0x3200  }
0x144: {  	[sflag:s9] =	ssyncset.done $0x0  }
0x145: {  	[sflag:s9] =	ssyncadd.s32 $0xFFFFCE00  }
0x146: {  	_ =	swait.ge [sflag:s9], $0x3200  }
0x147: {  	[sflag:s9] =	ssyncset.done $0x0  }
0x148: {  	s5 =	sadd.s32 $0x2, s5;
	[sflag:s9] =	ssyncadd.s32 $0xFFFFCE00  }
0x149: {  	p0 =	sge.u32 s5, s14;
	_ =	swait.ge [sflag:s9], $0x3200  }
0x14a: {  	s5 =	sshll.u32 @!p0 s5, $0x5;
	[sflag:s9] =	ssyncset.done $0x0  }
0x14b: {  	s5 =	sor.u32 @!p0 s7, s5;
	[sflag:s9] =	ssyncadd.s32 $0xFFFFCE00  }
0x14c: {  	s18 =	smul.u32 @!p0 $0x1900, s5;
	_ =	swait.ge [sflag:s9], $0x3200  }
0x14d: {  	[sflag:s9] =	ssyncset.done $0x0  }
0x14e: {  	s19 =	simm.s32 @!p0 $0x0;
	s18 =	sadd.s32 @!p0 s1, s18;
	[sflag:s9] =	ssyncadd.s32 $0xFFFFCE00  }
0x14f: {  	[tilespmem:s19], [sflag:$0x1] =	stream.linear.gather @!p0 [hbm4b:s18+s19], $0xC800, $0x38;
	[tilespmem:$0x1BD80] =	vst v63  }
0x150: {  	s18 =	sshll.u32 @!p0 s5, $0x6  }
0x151: {  	s18 =	sand.u32 @!p0 $0xFFFF780, s18  }
0x152: {  	s24 =	simm.s32 @!p0 $0x19000;
	s5 =	smul.u32 @!p0 $0x32, s5;
	s18 =	sadd.s32 @!p0 s18, s8  }
0x153: {  	[tilespmem:s24], [sflag:$0x2] =	stream.linear.gather @!p0 [hbm4b:s18+s19], $0x200, $0x38;
	[tilespmem:$0x1BD80] =	vst v63  }
0x154: {  	s5 =	sadd.s32 @!p0 s2, s5;
	s18 =	simm.s32 @!p0 $0x19400  }
0x155: {  	[tilespmem:s18], [sflag:$0x2] =	stream.linear.gather @!p0 [hbm4b:s5+s19], $0x190, $0x38;
	[tilespmem:$0x1BD80] =	vst v63  }
0x156: {  	_ = 	snop  }
0x157: {  	[spmem:s4] =	stream.indirect.scatter.add.f32 [tilespmem:s23], [sflag:$0x3], $0x80, s10, s28, $0xb8;
	[tilespmem:$0x1BD80] =	vst v63  }
0x158: {  	_ = 	snop  }
0x159: {  	[spmem:s4] =	stream.indirect.scatter.add.f32 [tilespmem:s12], [sflag:$0x3], $0x80, s11, s28, $0xb8;
	[tilespmem:$0x1BD80] =	vst v63  }
0x15a: {  	_ = 	snop  }
0x15b: {  	[spmem:s4] =	stream.indirect.scatter.add.f32 [tilespmem:s6], [sflag:$0x3], $0x80, s22, s28, $0xb8;
	[tilespmem:$0x1BD80] =	vst v63  }
0x15c: {  	s24 =	simm.s32 $0x0  }
0x15d: {  	[spmem:s4] =	stream.indirect.scatter.add.f32 [tilespmem:s17], [sflag:$0x3], $0x80, s16, s28, $0xb8;
	[tilespmem:$0x1BD80] =	vst v63  }
0x15e: {  	v2 =	vld [tilespmem:s24+$0x19600];
	_ =	sdelay $0x4  }
0x15f: {  	v2 =	vadd.s32 $0x19800, v2  }
0x160: {  	(v2sf) =	vpush v2, $0x0;
	_ =	sdelay $0x7  }
0x161: {  	(v2sf) =	vpush v2, $0x1;
	_ =	sdelay $0x6  }
0x162: {  	s18 =	spop (v2sf)  }
0x163: {  	(v2sf) =	vpush v2, $0x2;
	v3 =	vld [tilespmem:s18+$0x0];
	_ =	sdelay $0x4  }
0x164: {  	v3 =	vadd.f32 v1, v3;
	_ =	sdelay $0x1  }
0x165: {  	s19 =	spop (v2sf);
	[tilespmem:s18+$0x0] =	vst v3  }
0x166: {  	(v2sf) =	vpush v2, $0x3;
	v3 =	vld [tilespmem:s19+$0x0];
	_ =	sdelay $0x4  }
0x167: {  	v3 =	vadd.f32 v1, v3;
	_ =	sdelay $0x1  }
0x168: {  	s24 =	spop (v2sf);
	[tilespmem:s19+$0x0] =	vst v3  }
0x169: {  	(v2sf) =	vpush v2, $0x4;
	v3 =	vld [tilespmem:s24+$0x0];
	_ =	sdelay $0x4  }
0x16a: {  	v3 =	vadd.f32 v1, v3;
	_ =	sdelay $0x1  }
0x16b: {  	s18 =	spop (v2sf);
	[tilespmem:s24+$0x0] =	vst v3  }
0x16c: {  	(v2sf) =	vpush v2, $0x5;
	v3 =	vld [tilespmem:s18+$0x0];
	_ =	sdelay $0x4  }
0x16d: {  	v3 =	vadd.f32 v1, v3;
	_ =	sdelay $0x1  }
0x16e: {  	s19 =	spop (v2sf);
	[tilespmem:s18+$0x0] =	vst v3  }
0x16f: {  	(v2sf) =	vpush v2, $0x6;
	v3 =	vld [tilespmem:s19+$0x0];
	_ =	sdelay $0x4  }
0x170: {  	v3 =	vadd.f32 v1, v3;
	_ =	sdelay $0x1  }
0x171: {  	s24 =	spop (v2sf);
	[tilespmem:s19+$0x0] =	vst v3  }
0x172: {  	(v2sf) =	vpush v2, $0x7;
	v3 =	vld [tilespmem:s24+$0x0];
	_ =	sdelay $0x4  }
0x173: {  	v3 =	vadd.f32 v1, v3;
	_ =	sdelay $0x1  }
0x174: {  	s18 =	spop (v2sf);
	[tilespmem:s24+$0x0] =	vst v3  }
0x175: {  	(v2sf) =	vpush v2, $0x8;
	v3 =	vld [tilespmem:s18+$0x0];
	_ =	sdelay $0x4  }
0x176: {  	v3 =	vadd.f32 v1, v3;
	_ =	sdelay $0x1  }
0x177: {  	s19 =	spop (v2sf);
	[tilespmem:s18+$0x0] =	vst v3  }
0x178: {  	(v2sf) =	vpush v2, $0x9;
	v3 =	vld [tilespmem:s19+$0x0];
	_ =	sdelay $0x4  }
0x179: {  	v3 =	vadd.f32 v1, v3;
	_ =	sdelay $0x1  }
0x17a: {  	s24 =	spop (v2sf);
	[tilespmem:s19+$0x0] =	vst v3  }
0x17b: {  	(v2sf) =	vpush v2, $0xA;
	v3 =	vld [tilespmem:s24+$0x0];
	_ =	sdelay $0x4  }
0x17c: {  	v3 =	vadd.f32 v1, v3;
	_ =	sdelay $0x1  }
0x17d: {  	s18 =	spop (v2sf);
	[tilespmem:s24+$0x0] =	vst v3  }
0x17e: {  	(v2sf) =	vpush v2, $0xB;
	v3 =	vld [tilespmem:s18+$0x0];
	_ =	sdelay $0x4  }
0x17f: {  	v3 =	vadd.f32 v1, v3;
	_ =	sdelay $0x1  }
0x180: {  	s19 =	spop (v2sf);
	[tilespmem:s18+$0x0] =	vst v3  }
0x181: {  	(v2sf) =	vpush v2, $0xC;
	v3 =	vld [tilespmem:s19+$0x0];
	_ =	sdelay $0x4  }
0x182: {  	v3 =	vadd.f32 v1, v3;
	_ =	sdelay $0x1  }
0x183: {  	s24 =	spop (v2sf);
	[tilespmem:s19+$0x0] =	vst v3  }
0x184: {  	(v2sf) =	vpush v2, $0xD;
	v3 =	vld [tilespmem:s24+$0x0];
	_ =	sdelay $0x4  }
0x185: {  	v3 =	vadd.f32 v1, v3;
	_ =	sdelay $0x1  }
0x186: {  	s18 =	spop (v2sf);
	[tilespmem:s24+$0x0] =	vst v3  }
0x187: {  	(v2sf) =	vpush v2, $0xE;
	v3 =	vld [tilespmem:s18+$0x0];
	_ =	sdelay $0x4  }
0x188: {  	v3 =	vadd.f32 v1, v3;
	_ =	sdelay $0x1  }
0x189: {  	s19 =	spop (v2sf);
	[tilespmem:s18+$0x0] =	vst v3  }
0x18a: {  	(v2sf) =	vpush v2, $0xF;
	v3 =	vld [tilespmem:s19+$0x0];
	_ =	sdelay $0x4  }
0x18b: {  	v2 =	vadd.f32 v1, v3;
	_ =	sdelay $0x1  }
0x18c: {  	s24 =	spop (v2sf);
	[tilespmem:s19+$0x0] =	vst v2  }
0x18d: {  	v2 =	vld [tilespmem:s24+$0x0];
	_ =	sdelay $0x4  }
0x18e: {  	v2 =	vadd.f32 v1, v2;
	_ =	sdelay $0x1  }
0x18f: {  	s19 =	spop (v2sf);
	[tilespmem:s24+$0x0] =	vst v2  }
0x190: {  	v2 =	vld [tilespmem:s19+$0x0];
	_ =	sdelay $0x4  }
0x191: {  	s5 =	simm.s32 $0x40;
	s18 =	simm.s32 $0x80;
	v2 =	vadd.f32 v1, v2  }
.LBB2_12:
0x192: {  	p0 =	sne.s32 s18, $0x600  }
0x193: {  	s24 =	sshra.s32 s5, $0x2;
	s5 =	smov.u32 s18;
	s18 =	sadd.s32 $0x40, s18;
	[tilespmem:s19+$0x0] =	vst v2  }
0x194: {  	v2 =	vld [tilespmem:s24+$0x19600];
	_ =	sdelay $0x4  }
0x195: {  	v2 =	vadd.s32 $0x19800, v2  }
0x196: {  	(v2sf) =	vpush v2, $0x0;
	_ =	sdelay $0x7  }
0x197: {  	(v2sf) =	vpush v2, $0x1;
	_ =	sdelay $0x6  }
0x198: {  	s19 =	spop (v2sf)  }
0x199: {  	v3 =	vld [tilespmem:s19+$0x0];
	(v2sf) =	vpush v2, $0x2;
	_ =	sdelay $0x4  }
0x19a: {  	v3 =	vadd.f32 v1, v3;
	_ =	sdelay $0x1  }
0x19b: {  	[tilespmem:s19+$0x0] =	vst v3;
	s19 =	spop (v2sf)  }
0x19c: {  	v3 =	vld [tilespmem:s19+$0x0];
	(v2sf) =	vpush v2, $0x3;
	_ =	sdelay $0x4  }
0x19d: {  	v3 =	vadd.f32 v1, v3;
	_ =	sdelay $0x1  }
0x19e: {  	[tilespmem:s19+$0x0] =	vst v3;
	s19 =	spop (v2sf)  }
0x19f: {  	v3 =	vld [tilespmem:s19+$0x0];
	(v2sf) =	vpush v2, $0x4;
	_ =	sdelay $0x4  }
0x1a0: {  	v3 =	vadd.f32 v1, v3;
	_ =	sdelay $0x1  }
0x1a1: {  	[tilespmem:s19+$0x0] =	vst v3;
	s19 =	spop (v2sf)  }
0x1a2: {  	v3 =	vld [tilespmem:s19+$0x0];
	(v2sf) =	vpush v2, $0x5;
	_ =	sdelay $0x4  }
0x1a3: {  	v3 =	vadd.f32 v1, v3;
	_ =	sdelay $0x1  }
0x1a4: {  	[tilespmem:s19+$0x0] =	vst v3;
	s19 =	spop (v2sf)  }
0x1a5: {  	v3 =	vld [tilespmem:s19+$0x0];
	(v2sf) =	vpush v2, $0x6;
	_ =	sdelay $0x4  }
0x1a6: {  	v3 =	vadd.f32 v1, v3;
	_ =	sdelay $0x1  }
0x1a7: {  	[tilespmem:s19+$0x0] =	vst v3;
	s19 =	spop (v2sf)  }
0x1a8: {  	v3 =	vld [tilespmem:s19+$0x0];
	(v2sf) =	vpush v2, $0x7;
	_ =	sdelay $0x4  }
0x1a9: {  	v3 =	vadd.f32 v1, v3;
	_ =	sdelay $0x1  }
0x1aa: {  	[tilespmem:s19+$0x0] =	vst v3;
	s19 =	spop (v2sf)  }
0x1ab: {  	v3 =	vld [tilespmem:s19+$0x0];
	(v2sf) =	vpush v2, $0x8;
	_ =	sdelay $0x4  }
0x1ac: {  	v3 =	vadd.f32 v1, v3;
	_ =	sdelay $0x1  }
0x1ad: {  	[tilespmem:s19+$0x0] =	vst v3;
	s19 =	spop (v2sf)  }
0x1ae: {  	v3 =	vld [tilespmem:s19+$0x0];
	(v2sf) =	vpush v2, $0x9;
	_ =	sdelay $0x4  }
0x1af: {  	v3 =	vadd.f32 v1, v3;
	_ =	sdelay $0x1  }
0x1b0: {  	[tilespmem:s19+$0x0] =	vst v3;
	s19 =	spop (v2sf)  }
0x1b1: {  	v3 =	vld [tilespmem:s19+$0x0];
	(v2sf) =	vpush v2, $0xA;
	_ =	sdelay $0x4  }
0x1b2: {  	v3 =	vadd.f32 v1, v3;
	_ =	sdelay $0x1  }
0x1b3: {  	[tilespmem:s19+$0x0] =	vst v3;
	s19 =	spop (v2sf)  }
0x1b4: {  	v3 =	vld [tilespmem:s19+$0x0];
	(v2sf) =	vpush v2, $0xB;
	_ =	sdelay $0x4  }
0x1b5: {  	v3 =	vadd.f32 v1, v3;
	_ =	sdelay $0x1  }
0x1b6: {  	[tilespmem:s19+$0x0] =	vst v3;
	s19 =	spop (v2sf)  }
0x1b7: {  	v3 =	vld [tilespmem:s19+$0x0];
	(v2sf) =	vpush v2, $0xC;
	_ =	sdelay $0x4  }
0x1b8: {  	v3 =	vadd.f32 v1, v3;
	_ =	sdelay $0x1  }
0x1b9: {  	[tilespmem:s19+$0x0] =	vst v3;
	s19 =	spop (v2sf)  }
0x1ba: {  	v3 =	vld [tilespmem:s19+$0x0];
	(v2sf) =	vpush v2, $0xD;
	_ =	sdelay $0x4  }
0x1bb: {  	v3 =	vadd.f32 v1, v3;
	_ =	sdelay $0x1  }
0x1bc: {  	[tilespmem:s19+$0x0] =	vst v3;
	s19 =	spop (v2sf)  }
0x1bd: {  	v3 =	vld [tilespmem:s19+$0x0];
	(v2sf) =	vpush v2, $0xE;
	_ =	sdelay $0x4  }
0x1be: {  	v3 =	vadd.f32 v1, v3;
	_ =	sdelay $0x1  }
0x1bf: {  	[tilespmem:s19+$0x0] =	vst v3;
	s19 =	spop (v2sf)  }
0x1c0: {  	v3 =	vld [tilespmem:s19+$0x0];
	(v2sf) =	vpush v2, $0xF;
	_ =	sdelay $0x4  }
0x1c1: {  	v2 =	vadd.f32 v1, v3;
	_ =	sdelay $0x1  }
0x1c2: {  	[tilespmem:s19+$0x0] =	vst v2;
	s19 =	spop (v2sf)  }
0x1c3: {  	v2 =	vld [tilespmem:s19+$0x0];
	_ =	sdelay $0x4  }
0x1c4: {  	v2 =	vadd.f32 v1, v2;
	_ =	sdelay $0x1  }
0x1c5: {  	[tilespmem:s19+$0x0] =	vst v2;
	s19 =	spop (v2sf)  }
0x1c6: {  	v2 =	vld [tilespmem:s19+$0x0]  }
.Ltmp9:
0x1c7: {  	(pc) =	sbr.rel @p0 .LBB2_12-.Ltmp9, $2  }
0x1c8: {  	_ =	sdelay $0x2  }
0x1c9: {  	v2 =	vadd.f32 v1, v2  }
0x1ca: {  	_ = 	snop  }
0x1cb: {  	s5 =	sshra.s32 s5, $0x2;
	[tilespmem:s19+$0x0] =	vst v2  }
0x1cc: {  	v2 =	vld [tilespmem:s5+$0x19600];
	_ =	sdelay $0x4  }
0x1cd: {  	v2 =	vadd.s32 $0x19800, v2  }
0x1ce: {  	(v2sf) =	vpush v2, $0x0;
	_ =	sdelay $0x7  }
0x1cf: {  	(v2sf) =	vpush v2, $0x1;
	_ =	sdelay $0x6  }
0x1d0: {  	s24 =	spop (v2sf)  }
0x1d1: {  	(v2sf) =	vpush v2, $0x2;
	v3 =	vld [tilespmem:s24+$0x0];
	_ =	sdelay $0x4  }
0x1d2: {  	v3 =	vadd.f32 v1, v3;
	_ =	sdelay $0x1  }
0x1d3: {  	s18 =	spop (v2sf);
	[tilespmem:s24+$0x0] =	vst v3  }
0x1d4: {  	(v2sf) =	vpush v2, $0x3;
	v3 =	vld [tilespmem:s18+$0x0];
	_ =	sdelay $0x4  }
0x1d5: {  	v3 =	vadd.f32 v1, v3;
	_ =	sdelay $0x1  }
0x1d6: {  	s19 =	spop (v2sf);
	[tilespmem:s18+$0x0] =	vst v3  }
0x1d7: {  	(v2sf) =	vpush v2, $0x4;
	v3 =	vld [tilespmem:s19+$0x0];
	_ =	sdelay $0x4  }
0x1d8: {  	v3 =	vadd.f32 v1, v3;
	_ =	sdelay $0x1  }
0x1d9: {  	s24 =	spop (v2sf);
	[tilespmem:s19+$0x0] =	vst v3  }
0x1da: {  	(v2sf) =	vpush v2, $0x5;
	v3 =	vld [tilespmem:s24+$0x0];
	_ =	sdelay $0x4  }
0x1db: {  	v3 =	vadd.f32 v1, v3;
	_ =	sdelay $0x1  }
0x1dc: {  	s18 =	spop (v2sf);
	[tilespmem:s24+$0x0] =	vst v3  }
0x1dd: {  	(v2sf) =	vpush v2, $0x6;
	v3 =	vld [tilespmem:s18+$0x0];
	_ =	sdelay $0x4  }
0x1de: {  	v3 =	vadd.f32 v1, v3;
	_ =	sdelay $0x1  }
0x1df: {  	s19 =	spop (v2sf);
	[tilespmem:s18+$0x0] =	vst v3  }
0x1e0: {  	(v2sf) =	vpush v2, $0x7;
	v3 =	vld [tilespmem:s19+$0x0];
	_ =	sdelay $0x4  }
0x1e1: {  	v3 =	vadd.f32 v1, v3;
	_ =	sdelay $0x1  }
0x1e2: {  	s24 =	spop (v2sf);
	[tilespmem:s19+$0x0] =	vst v3  }
0x1e3: {  	(v2sf) =	vpush v2, $0x8;
	v3 =	vld [tilespmem:s24+$0x0];
	_ =	sdelay $0x4  }
0x1e4: {  	v3 =	vadd.f32 v1, v3;
	_ =	sdelay $0x1  }
0x1e5: {  	s18 =	spop (v2sf);
	[tilespmem:s24+$0x0] =	vst v3  }
0x1e6: {  	(v2sf) =	vpush v2, $0x9;
	v3 =	vld [tilespmem:s18+$0x0];
	_ =	sdelay $0x4  }
0x1e7: {  	v3 =	vadd.f32 v1, v3;
	_ =	sdelay $0x1  }
0x1e8: {  	s19 =	spop (v2sf);
	[tilespmem:s18+$0x0] =	vst v3  }
0x1e9: {  	(v2sf) =	vpush v2, $0xA;
	v3 =	vld [tilespmem:s19+$0x0];
	_ =	sdelay $0x4  }
0x1ea: {  	v3 =	vadd.f32 v1, v3;
	_ =	sdelay $0x1  }
0x1eb: {  	s24 =	spop (v2sf);
	[tilespmem:s19+$0x0] =	vst v3  }
0x1ec: {  	(v2sf) =	vpush v2, $0xB;
	v3 =	vld [tilespmem:s24+$0x0];
	_ =	sdelay $0x4  }
0x1ed: {  	v3 =	vadd.f32 v1, v3;
	_ =	sdelay $0x1  }
0x1ee: {  	s18 =	spop (v2sf);
	[tilespmem:s24+$0x0] =	vst v3  }
0x1ef: {  	(v2sf) =	vpush v2, $0xC;
	v3 =	vld [tilespmem:s18+$0x0];
	_ =	sdelay $0x4  }
0x1f0: {  	v3 =	vadd.f32 v1, v3;
	_ =	sdelay $0x1  }
0x1f1: {  	s19 =	spop (v2sf);
	[tilespmem:s18+$0x0] =	vst v3  }
0x1f2: {  	(v2sf) =	vpush v2, $0xD;
	v3 =	vld [tilespmem:s19+$0x0];
	_ =	sdelay $0x4  }
0x1f3: {  	v3 =	vadd.f32 v1, v3;
	_ =	sdelay $0x1  }
0x1f4: {  	s24 =	spop (v2sf);
	[tilespmem:s19+$0x0] =	vst v3  }
0x1f5: {  	(v2sf) =	vpush v2, $0xE;
	v3 =	vld [tilespmem:s24+$0x0];
	_ =	sdelay $0x4  }
0x1f6: {  	v3 =	vadd.f32 v1, v3;
	_ =	sdelay $0x1  }
0x1f7: {  	s18 =	spop (v2sf);
	[tilespmem:s24+$0x0] =	vst v3  }
0x1f8: {  	(v2sf) =	vpush v2, $0xF;
	v3 =	vld [tilespmem:s18+$0x0];
	_ =	sdelay $0x4  }
0x1f9: {  	v2 =	vadd.f32 v1, v3;
	_ =	sdelay $0x1  }
0x1fa: {  	s19 =	spop (v2sf);
	[tilespmem:s18+$0x0] =	vst v2  }
0x1fb: {  	v2 =	vld [tilespmem:s19+$0x0];
	_ =	sdelay $0x4  }
0x1fc: {  	v2 =	vadd.f32 v1, v2;
	_ =	sdelay $0x1  }
0x1fd: {  	s24 =	spop (v2sf);
	[tilespmem:s19+$0x0] =	vst v2  }
0x1fe: {  	v2 =	vld [tilespmem:s24+$0x0];
	_ =	sdelay $0x2  }
.Ltmp10:
0x1ff: {  	_ = 	snop;
	(pc) =	sbr.rel .LBB2_14-.Ltmp10, $3  }
0x200: {  	_ = 	snop  }
0x201: {  	v2 =	vadd.f32 v1, v2;
	_ =	sdelay $0x1  }
0x202: {  	[tilespmem:s24+$0x0] =	vst v2;
	s24 =	simm.s32 $0x19C80  }
.LBB2_16:
0x203: {  	_ =	sfence.sel $0x180000  }
0x204: {  	[bflag:$0x0] =	sbarrier.arrive $0xFFFF  }
0x205: {  	_ =	strace $0x90000047  }
0x206: {  	s0 =	stileid.u32;
	[bflag:$0x2] =	sbarrier.arrive $0xFFFF  }
0x207: {  	p0 =	sne.s32 s0, $0x0;
	s0 =	rddreg [dreg:$0x5]  }
0x208: {  	s0 =	sadd.s32 @!p0 $0x100000, s0  }
0x209: {  	[sflag:s0] =	ssyncadd.tile.s32 @!p0 $0x1;
	_ =	shalt  }
.Lfunc_end2:
_tile_overlayer_lowered:
.L_overlay_start_2:
0x20a: {  	(tag) =	ssettag $0x2  }
0x20b: {  	s0 =	rddreg [dreg:$0x0];
	s2 =	stileid.u32  }
0x20c: {  	s1 =	rddreg [dreg:$0x1];
	p0 =	sne.s32 s2, $0x0  }
0x20d: {  	s3 =	rddreg [dreg:$0x2];
	[bflag:$0x3] =	sbarrier.arrive $0xFFFF;
	s2 =	simm.s32 @!p0 $0x1C05  }
0x20e: {  	[timem:s3], [sflag:s2] =	dma.local @!p0 [hbm:s0], s1  }
0x20f: {  	s0 =	simm.s32 @!p0 $0x5  }
0x210: {  	_ =	swait.ge @!p0 [sflag:s0], s1  }
0x211: {  	s1 =	ssub.s32 @!p0 $0x0, s1;
	[sflag:s0] =	ssyncset.done @!p0 $0x0  }
0x212: {  	[sflag:s0] =	ssyncadd.s32 @!p0 s1  }
0x213: {  	[bflag:$0x3] =	sbarrier.arrive $0xFFFF  }
0x214: {  	_ =	shalt  }

</sc_bundles>
